<compile_context>
chip_gen: v7x
topology: tpu7x:2x2x1
jax: 0.10.2.dev20260603
libtpu: 0.0.44.dev20260713+nightly
codegen_flags: <defaults>
</compile_context>

<pallas_src>
import functools

import jax
import jax.numpy as jnp
import numpy as np
from jax import lax
from jax.experimental import pallas as pl
from jax.experimental.pallas import tpu as pltpu
from jax.experimental.pallas import tpu_sc as plsc

B, N, S, D = 8, 4096, 1024, 128
TN = 512
NT = N // TN
TNC = 512
NTC = N // TNC
INV = np.float32(1.0) / np.sqrt(np.float32(1.0 + 1e-5))

NC, NS = 2, 16
NW = NC * NS
ROWS = B * N * 3
PER_W = ROWS // NW
CH = 256
NCHUNK = PER_W // CH


def _knn_body(x1_ref, x2_ref, idx_ref, w_ref):
    b = pl.program_id(0)
    x1 = x1_ref[0]
    x2 = x2_ref[0]
    s1 = jnp.sum(x1 * x1, axis=1, keepdims=True)
    s2 = jnp.sum(x2 * x2, axis=1, keepdims=True)
    lhs = jnp.concatenate([x1, s1, jnp.ones((TN, 1), jnp.float32)], axis=1)
    rhs = jnp.concatenate([-2.0 * x2, jnp.ones((S, 1), jnp.float32), s2],
                          axis=1)
    d = lax.dot_general(lhs, rhs, (((1,), (1,)), ((), ())),
                        preferred_element_type=jnp.float32)
    iota = lax.broadcasted_iota(jnp.int32, (TN, S), 1).astype(jnp.float32)
    big = jnp.float32(S)
    vals, idxs = [], []
    for k in range(3):
        m = jnp.min(d, axis=1, keepdims=True)
        eq = d == m
        a = jnp.min(jnp.where(eq, iota, big), axis=1, keepdims=True)
        vals.append(m)
        idxs.append(a)
        if k < 2:
            d = jnp.where(iota == a, jnp.inf, d)
    r = [1.0 / (v + 1e-8) for v in vals]
    norm = (r[0] + r[1]) + r[2]
    w_ref[0] = jnp.concatenate([r[0] / norm, r[1] / norm, r[2] / norm], axis=1)
    ii = [a.astype(jnp.int32) for a in idxs]
    idx_ref[0] = jnp.concatenate(ii, axis=1) + b * S


_KNN_GRID = (B, NT)
_KNN_IN_SPECS = [
    pl.BlockSpec((1, TN, 3), lambda b, nt: (b, nt, 0)),
    pl.BlockSpec((1, S, 3), lambda b, nt: (b, 0, 0)),
]
_KNN_OUT_SPECS = [
    pl.BlockSpec((1, TN, 3), lambda b, nt: (b, nt, 0)),
    pl.BlockSpec((1, TN, 3), lambda b, nt: (b, nt, 0)),
]
_KNN_OUT_SHAPE = [
    jax.ShapeDtypeStruct((B, N, 3), jnp.int32),
    jax.ShapeDtypeStruct((B, N, 3), jnp.float32),
]


def _knn_call(x1t, x2t):
    return pl.pallas_call(
        _knn_body,
        grid=_KNN_GRID,
        in_specs=_KNN_IN_SPECS,
        out_specs=_KNN_OUT_SPECS,
        out_shape=_KNN_OUT_SHAPE,
    )(x1t, x2t)


def _gather_body(p2_hbm, idx_hbm, out_hbm, idx_v, rows_v, sem):
    c = lax.axis_index("c")
    s = lax.axis_index("s")
    wid = s * NC + c
    base = wid * PER_W
    for j in range(NCHUNK):
        off = base + j * CH
        pltpu.sync_copy(idx_hbm.at[pl.ds(off, CH)], idx_v)
        pltpu.async_copy(p2_hbm.at[idx_v], rows_v, sem).wait()
        pltpu.sync_copy(rows_v, out_hbm.at[pl.ds(off, CH)])


def _gather_call(p2flat, idx_flat):
    k = functools.partial(
        pl.kernel,
        mesh=plsc.VectorSubcoreMesh(core_axis_name="c", subcore_axis_name="s"),
        out_type=jax.ShapeDtypeStruct((ROWS, D), jnp.float32),
        scratch_types=[
            pltpu.VMEM((CH,), jnp.int32),
            pltpu.VMEM((CH, D), jnp.float32),
            pltpu.SemaphoreType.DMA,
        ],
    )(_gather_body)
    return k(p2flat, idx_flat)


def _mlp_body(p1_ref, g_ref, w_ref, w0_ref, w1_ref, b0_ref, g0_ref,
              beta0_ref, b1_ref, g1_ref, beta1_ref, out_ref, acc_ref):
    nt = pl.program_id(1)
    p1 = p1_ref[0]
    g = g_ref[0]
    w = w_ref[0]
    interp = (g[:, 0:D] * w[:, 0:1]
              + g[:, D:2 * D] * w[:, 1:2]
              + g[:, 2 * D:3 * D] * w[:, 2:3])
    w0b = w0_ref[pl.ds(nt * TNC, TNC), :]
    low = lax.dot_general(p1, w0b, (((1,), (0,)), ((), ())),
                          preferred_element_type=jnp.float32)
    high = lax.dot_general(interp, w0b, (((0,), (0,)), ((), ())),
                           preferred_element_type=jnp.float32)
    st = jnp.concatenate([low, high], axis=0)

    @pl.when(nt == 0)
    def _():
        acc_ref[...] = st

    @pl.when(nt > 0)
    def _():
        acc_ref[...] += st

    @pl.when(nt == NTC - 1)
    def _():
        h = acc_ref[...] + b0_ref[...]
        h = jnp.maximum(h * INV * g0_ref[...] + beta0_ref[...], 0.0)
        h2 = lax.dot_general(h, w1_ref[...], (((1,), (0,)), ((), ())),
                             preferred_element_type=jnp.float32) + b1_ref[...]
        out_ref[0] = jnp.maximum(h2 * INV * g1_ref[...] + beta1_ref[...], 0.0)


_MLP_GRID = (B, NTC)
_MLP_IN_SPECS = [
    pl.BlockSpec((1, D, TNC), lambda b, nt: (b, 0, nt)),
    pl.BlockSpec((1, TNC, 3 * D), lambda b, nt: (b, nt, 0)),
    pl.BlockSpec((1, TNC, 3), lambda b, nt: (b, nt, 0)),
    pl.BlockSpec((N, 2 * D), lambda b, nt: (0, 0)),
    pl.BlockSpec((2 * D, D), lambda b, nt: (0, 0)),
    pl.BlockSpec((1, 2 * D), lambda b, nt: (0, 0)),
    pl.BlockSpec((1, 2 * D), lambda b, nt: (0, 0)),
    pl.BlockSpec((1, 2 * D), lambda b, nt: (0, 0)),
    pl.BlockSpec((1, D), lambda b, nt: (0, 0)),
    pl.BlockSpec((1, D), lambda b, nt: (0, 0)),
    pl.BlockSpec((1, D), lambda b, nt: (0, 0)),
]
_MLP_OUT_SPECS = pl.BlockSpec((1, 2 * D, D), lambda b, nt: (b, 0, 0))
_MLP_OUT_SHAPE = jax.ShapeDtypeStruct((B, 2 * D, D), jnp.float32)
_MLP_SCRATCH = [pltpu.VMEM((2 * D, 2 * D), jnp.float32)]


def _mlp_call(points1, gath, w, W0, W1, b0, g0, beta0, b1, g1, beta1):
    return pl.pallas_call(
        _mlp_body,
        grid=_MLP_GRID,
        in_specs=_MLP_IN_SPECS,
        out_specs=_MLP_OUT_SPECS,
        out_shape=_MLP_OUT_SHAPE,
        scratch_shapes=_MLP_SCRATCH,
    )(points1, gath, w, W0, W1,
      b0.reshape(1, 2 * D), g0.reshape(1, 2 * D), beta0.reshape(1, 2 * D),
      b1.reshape(1, D), g1.reshape(1, D), beta1.reshape(1, D))


def kernel(xyz1, xyz2, points1, points2, W0, b0, g0, beta0, W1, b1, g1, beta1):
    x1t = jnp.transpose(xyz1, (0, 2, 1))
    x2t = jnp.transpose(xyz2, (0, 2, 1))
    p2flat = jnp.transpose(points2, (0, 2, 1)).reshape(B * S, D)
    idxg, w = _knn_call(x1t, x2t)
    gath = _gather_call(p2flat, idxg.reshape(ROWS))
    gath = gath.reshape(B, N, 3 * D)
    return _mlp_call(points1, gath, w, W0, W1, b0, g0, beta0, b1, g1, beta1)

# --- scband reference (transcript-rebuilt; emitter-appended) ---
"""Pipeline reference for scband-point-net-feature-propagation-14817637171237 (READ-ONLY COPY).

The authoritative reference and input builder live on the scoring server;
editing this copy changes nothing except your own understanding.
"""

import jax, jax.numpy as jnp
import numpy as np

B, N, S, D = 8, 4096, 1024, 128
MLP = [256, 128]


def setup_inputs(seed: int = 0) -> dict:
    key = jax.random.key(seed)
    ks = jax.random.split(key, 8)
    xyz1 = jax.random.normal(ks[0], (B, 3, N), dtype=jnp.float32)
    xyz2 = jax.random.normal(ks[1], (B, 3, S), dtype=jnp.float32)
    points1 = jax.random.normal(ks[2], (B, D, N), dtype=jnp.float32)
    points2 = jax.random.normal(ks[3], (B, D, S), dtype=jnp.float32)
    # Conv/BatchNorm params. After concat+transpose the tensor is [B, 2D, N] and
    # flax nn.Conv treats the LAST axis (N) as the feature axis, so the first 1x1
    # conv kernel has in_features = N.
    W0 = jax.random.normal(ks[4], (N, MLP[0]), dtype=jnp.float32) * (1.0 / np.sqrt(N))
    b0 = jnp.zeros((MLP[0],), dtype=jnp.float32)
    g0 = jnp.ones((MLP[0],), dtype=jnp.float32)
    beta0 = jnp.zeros((MLP[0],), dtype=jnp.float32)
    W1 = jax.random.normal(ks[5], (MLP[0], MLP[1]), dtype=jnp.float32) * (1.0 / np.sqrt(MLP[0]))
    b1 = jnp.zeros((MLP[1],), dtype=jnp.float32)
    g1 = jnp.ones((MLP[1],), dtype=jnp.float32)
    beta1 = jnp.zeros((MLP[1],), dtype=jnp.float32)
    return {"xyz1": xyz1, "xyz2": xyz2, "points1": points1, "points2": points2,
            "W0": W0, "b0": b0, "g0": g0, "beta0": beta0,
            "W1": W1, "b1": b1, "g1": g1, "beta1": beta1}


def square_distance(src, dst):
    Bq, Nq, _ = src.shape
    _, Mq, _ = dst.shape
    dist = -2.0 * jnp.matmul(src, jnp.transpose(dst, (0, 2, 1)))
    dist = dist + jnp.sum(src ** 2, -1).reshape(Bq, Nq, 1)
    dist = dist + jnp.sum(dst ** 2, -1).reshape(Bq, 1, Mq)
    return dist


def reference(xyz1, xyz2, points1, points2, W0, b0, g0, beta0, W1, b1, g1, beta1):
    x1 = jnp.transpose(xyz1, (0, 2, 1))   # [B, N, 3]
    x2 = jnp.transpose(xyz2, (0, 2, 1))   # [B, S, 3]
    p2 = jnp.transpose(points2, (0, 2, 1))  # [B, S, D]
    Bq, Nq, _ = x1.shape
    _, Sq, _ = x2.shape
    dists = square_distance(x1, x2)                 # [B, N, S]
    d_sorted = jnp.sort(dists, axis=-1)[:, :, :3]   # [B, N, 3]
    idx = jnp.argsort(dists, axis=-1)[:, :, :3]     # [B, N, 3]
    dist_recip = 1.0 / (d_sorted + 1e-08)
    norm = jnp.sum(dist_recip, axis=2, keepdims=True)
    weight = dist_recip / norm                      # [B, N, 3]
    bidx = jnp.arange(Bq)[:, None, None]
    gathered = p2[bidx, idx]                        # [B, N, 3, D] batched 3-NN gather
    interpolated = jnp.sum(gathered * weight.reshape(Bq, Nq, 3, 1), axis=2)  # [B, N, D]
    p1 = jnp.transpose(points1, (0, 2, 1))          # [B, N, D]
    new_points = jnp.concatenate([p1, interpolated], axis=-1)  # [B, N, 2D]
    new_points = jnp.transpose(new_points, (0, 2, 1))           # [B, 2D, N]
    # mlp layers: flax Conv(out, (1,)) on [B, 2D, N] -> features axis is N.
    # BatchNorm with use_running_average=True (training=False): mean=0, var=1.
    inv = 1.0 / jnp.sqrt(1.0 + 1e-05)
    h = jnp.einsum('bsn,no->bso', new_points, W0) + b0   # [B, 2D, 256]
    h = jax.nn.relu(h * inv * g0 + beta0)
    h = jnp.einsum('bsn,no->bso', h, W1) + b1            # [B, 2D, 128]
    h = jax.nn.relu(h * inv * g1 + beta1)
    return h

if __name__ == "__main__":
    import jax
    _d = setup_inputs()
    print(jax.jit(kernel)(*tuple(_d.values())))

</pallas_src>

<mosaic_0001>
#map = affine_map<(d0, d1) -> (0, 0)>
#map1 = affine_map<(d0, d1) -> (0)>
module attributes {stable_mosaic.version = 14 : i64} {
  func.func @_gather_body(%arg0: i32, %arg1: i32, %arg2: memref<8192x128xf32, #tpu.memory_space<hbm>>, %arg3: memref<98304xi32, #tpu.memory_space<hbm>>, %arg4: memref<98304x128xf32, #tpu.memory_space<hbm>>, %arg5: memref<256xi32, #tpu.memory_space<vmem>>, %arg6: memref<256x128xf32, #tpu.memory_space<vmem>>, %arg7: memref<!tpu.dma_semaphore, #tpu.memory_space<semaphore_mem>>) attributes {dimension_semantics = [#tpu.dimension_semantics<core_parallel>, #tpu.dimension_semantics<subcore_parallel>], iteration_bounds = array<i64: 2, 16>, scalar_prefetch = 0 : i64, scratch_operands = 3 : i64, tpu.core_type = #tpu.core_type<sc_vector_subcore>, window_params = [{transform_indices = #map}, {transform_indices = #map1}, {transform_indices = #map}]} {
    %mul3A = arith.constant 2 : i32
    %mul3A_0 = arith.muli %arg1, %mul3A : i32
    %add3A = arith.addi %mul3A_0, %arg0 : i32
    %mul3A_1 = arith.constant 3072 : i32
    %mul3A_2 = arith.muli %add3A, %mul3A_1 : i32
    %add3A_3 = arith.constant 0 : i32
    %add3A_4 = arith.addi %mul3A_2, %add3A_3 : i32
    "tpu.region"() ({
      %run_scoped3A = tpu.sem_alloc : memref<!tpu.dma_semaphore, #tpu.memory_space<semaphore_mem>>
      %dma_start3A_97 = tpu.memref_slice %arg3[%add3A_4] : memref<98304xi32, #tpu.memory_space<hbm>> -> memref<256xi32, #tpu.memory_space<hbm>>
      %dma_start3A_98 = tpu.memref_slice %arg3[%add3A_4] : memref<98304xi32, #tpu.memory_space<hbm>> -> memref<256xi32, #tpu.memory_space<hbm>>
      tpu.enqueue_dma source(%dma_start3A_98 : memref<256xi32, #tpu.memory_space<hbm>>) target(%arg5 : memref<256xi32, #tpu.memory_space<vmem>>) target_semaphore(%run_scoped3A : memref<!tpu.dma_semaphore, #tpu.memory_space<semaphore_mem>>)
      %dma_wait3A_99 = tpu.memref_slice %arg3[%add3A_4] : memref<98304xi32, #tpu.memory_space<hbm>> -> memref<256xi32, #tpu.memory_space<hbm>>
      %dma_wait3A_100 = tpu.memref_slice %arg3[%add3A_4] : memref<98304xi32, #tpu.memory_space<hbm>> -> memref<256xi32, #tpu.memory_space<hbm>>
      tpu.wait_dma2 semaphore(%run_scoped3A : memref<!tpu.dma_semaphore, #tpu.memory_space<semaphore_mem>>) src(%dma_wait3A_100 : memref<256xi32, #tpu.memory_space<hbm>>) dst(%arg5 : memref<256xi32, #tpu.memory_space<vmem>>)
      tpu.yield
    }) : () -> ()
    %dma_start3A = arith.constant 0 : i32
    %dma_start3A_5 = arith.constant 0 : i32
    %dma_start3A_6 = tpu.memref_slice %arg2[%dma_start3A, %dma_start3A_5] : memref<8192x128xf32, #tpu.memory_space<hbm>> -> memref<8192x128xf32, #tpu.memory_space<hbm>>
    tpu.enqueue_indirect_dma source(%dma_start3A_6 : memref<8192x128xf32, #tpu.memory_space<hbm>>) target(%arg6 : memref<256x128xf32, #tpu.memory_space<vmem>>) offsets(%arg5 : memref<256xi32, #tpu.memory_space<vmem>>) semaphore(%arg7 : memref<!tpu.dma_semaphore, #tpu.memory_space<semaphore_mem>>)
    %dma_wait3A = arith.constant 0 : i32
    %dma_wait3A_7 = arith.constant 0 : i32
    %dma_wait3A_8 = tpu.memref_slice %arg2[%dma_wait3A, %dma_wait3A_7] : memref<8192x128xf32, #tpu.memory_space<hbm>> -> memref<8192x128xf32, #tpu.memory_space<hbm>>
    tpu.wait_indirect_dma semaphore(%arg7 : memref<!tpu.dma_semaphore, #tpu.memory_space<semaphore_mem>>) src(%dma_wait3A_8 : memref<8192x128xf32, #tpu.memory_space<hbm>>) dst(%arg6 : memref<256x128xf32, #tpu.memory_space<vmem>>)
    "tpu.region"() ({
      %run_scoped3A = tpu.sem_alloc : memref<!tpu.dma_semaphore, #tpu.memory_space<semaphore_mem>>
      %dma_start3A_97 = arith.constant 0 : i32
      %dma_start3A_98 = tpu.memref_slice %arg4[%add3A_4, %dma_start3A_97] : memref<98304x128xf32, #tpu.memory_space<hbm>> -> memref<256x128xf32, #tpu.memory_space<hbm>>
      %dma_start3A_99 = arith.constant 0 : i32
      %dma_start3A_100 = tpu.memref_slice %arg4[%add3A_4, %dma_start3A_99] : memref<98304x128xf32, #tpu.memory_space<hbm>> -> memref<256x128xf32, #tpu.memory_space<hbm>>
      tpu.enqueue_dma source(%arg6 : memref<256x128xf32, #tpu.memory_space<vmem>>) target(%dma_start3A_100 : memref<256x128xf32, #tpu.memory_space<hbm>>) target_semaphore(%run_scoped3A : memref<!tpu.dma_semaphore, #tpu.memory_space<semaphore_mem>>)
      %dma_wait3A_101 = arith.constant 0 : i32
      %dma_wait3A_102 = tpu.memref_slice %arg4[%add3A_4, %dma_wait3A_101] : memref<98304x128xf32, #tpu.memory_space<hbm>> -> memref<256x128xf32, #tpu.memory_space<hbm>>
      %dma_wait3A_103 = arith.constant 0 : i32
      %dma_wait3A_104 = tpu.memref_slice %arg4[%add3A_4, %dma_wait3A_103] : memref<98304x128xf32, #tpu.memory_space<hbm>> -> memref<256x128xf32, #tpu.memory_space<hbm>>
      tpu.wait_dma2 semaphore(%run_scoped3A : memref<!tpu.dma_semaphore, #tpu.memory_space<semaphore_mem>>) src(%arg6 : memref<256x128xf32, #tpu.memory_space<vmem>>) dst(%dma_wait3A_104 : memref<256x128xf32, #tpu.memory_space<hbm>>)
      tpu.yield
    }) : () -> ()
    %add3A_9 = arith.constant 256 : i32
    %add3A_10 = arith.addi %mul3A_2, %add3A_9 : i32
    "tpu.region"() ({
      %run_scoped3A = tpu.sem_alloc : memref<!tpu.dma_semaphore, #tpu.memory_space<semaphore_mem>>
      %dma_start3A_97 = tpu.memref_slice %arg3[%add3A_10] : memref<98304xi32, #tpu.memory_space<hbm>> -> memref<256xi32, #tpu.memory_space<hbm>>
      %dma_start3A_98 = tpu.memref_slice %arg3[%add3A_10] : memref<98304xi32, #tpu.memory_space<hbm>> -> memref<256xi32, #tpu.memory_space<hbm>>
      tpu.enqueue_dma source(%dma_start3A_98 : memref<256xi32, #tpu.memory_space<hbm>>) target(%arg5 : memref<256xi32, #tpu.memory_space<vmem>>) target_semaphore(%run_scoped3A : memref<!tpu.dma_semaphore, #tpu.memory_space<semaphore_mem>>)
      %dma_wait3A_99 = tpu.memref_slice %arg3[%add3A_10] : memref<98304xi32, #tpu.memory_space<hbm>> -> memref<256xi32, #tpu.memory_space<hbm>>
      %dma_wait3A_100 = tpu.memref_slice %arg3[%add3A_10] : memref<98304xi32, #tpu.memory_space<hbm>> -> memref<256xi32, #tpu.memory_space<hbm>>
      tpu.wait_dma2 semaphore(%run_scoped3A : memref<!tpu.dma_semaphore, #tpu.memory_space<semaphore_mem>>) src(%dma_wait3A_100 : memref<256xi32, #tpu.memory_space<hbm>>) dst(%arg5 : memref<256xi32, #tpu.memory_space<vmem>>)
      tpu.yield
    }) : () -> ()
    %dma_start3A_11 = arith.constant 0 : i32
    %dma_start3A_12 = arith.constant 0 : i32
    %dma_start3A_13 = tpu.memref_slice %arg2[%dma_start3A_11, %dma_start3A_12] : memref<8192x128xf32, #tpu.memory_space<hbm>> -> memref<8192x128xf32, #tpu.memory_space<hbm>>
    tpu.enqueue_indirect_dma source(%dma_start3A_13 : memref<8192x128xf32, #tpu.memory_space<hbm>>) target(%arg6 : memref<256x128xf32, #tpu.memory_space<vmem>>) offsets(%arg5 : memref<256xi32, #tpu.memory_space<vmem>>) semaphore(%arg7 : memref<!tpu.dma_semaphore, #tpu.memory_space<semaphore_mem>>)
    %dma_wait3A_14 = arith.constant 0 : i32
    %dma_wait3A_15 = arith.constant 0 : i32
    %dma_wait3A_16 = tpu.memref_slice %arg2[%dma_wait3A_14, %dma_wait3A_15] : memref<8192x128xf32, #tpu.memory_space<hbm>> -> memref<8192x128xf32, #tpu.memory_space<hbm>>
    tpu.wait_indirect_dma semaphore(%arg7 : memref<!tpu.dma_semaphore, #tpu.memory_space<semaphore_mem>>) src(%dma_wait3A_16 : memref<8192x128xf32, #tpu.memory_space<hbm>>) dst(%arg6 : memref<256x128xf32, #tpu.memory_space<vmem>>)
    "tpu.region"() ({
      %run_scoped3A = tpu.sem_alloc : memref<!tpu.dma_semaphore, #tpu.memory_space<semaphore_mem>>
      %dma_start3A_97 = arith.constant 0 : i32
      %dma_start3A_98 = tpu.memref_slice %arg4[%add3A_10, %dma_start3A_97] : memref<98304x128xf32, #tpu.memory_space<hbm>> -> memref<256x128xf32, #tpu.memory_space<hbm>>
      %dma_start3A_99 = arith.constant 0 : i32
      %dma_start3A_100 = tpu.memref_slice %arg4[%add3A_10, %dma_start3A_99] : memref<98304x128xf32, #tpu.memory_space<hbm>> -> memref<256x128xf32, #tpu.memory_space<hbm>>
      tpu.enqueue_dma source(%arg6 : memref<256x128xf32, #tpu.memory_space<vmem>>) target(%dma_start3A_100 : memref<256x128xf32, #tpu.memory_space<hbm>>) target_semaphore(%run_scoped3A : memref<!tpu.dma_semaphore, #tpu.memory_space<semaphore_mem>>)
      %dma_wait3A_101 = arith.constant 0 : i32
      %dma_wait3A_102 = tpu.memref_slice %arg4[%add3A_10, %dma_wait3A_101] : memref<98304x128xf32, #tpu.memory_space<hbm>> -> memref<256x128xf32, #tpu.memory_space<hbm>>
      %dma_wait3A_103 = arith.constant 0 : i32
      %dma_wait3A_104 = tpu.memref_slice %arg4[%add3A_10, %dma_wait3A_103] : memref<98304x128xf32, #tpu.memory_space<hbm>> -> memref<256x128xf32, #tpu.memory_space<hbm>>
      tpu.wait_dma2 semaphore(%run_scoped3A : memref<!tpu.dma_semaphore, #tpu.memory_space<semaphore_mem>>) src(%arg6 : memref<256x128xf32, #tpu.memory_space<vmem>>) dst(%dma_wait3A_104 : memref<256x128xf32, #tpu.memory_space<hbm>>)
      tpu.yield
    }) : () -> ()
    %add3A_17 = arith.constant 512 : i32
    %add3A_18 = arith.addi %mul3A_2, %add3A_17 : i32
    "tpu.region"() ({
      %run_scoped3A = tpu.sem_alloc : memref<!tpu.dma_semaphore, #tpu.memory_space<semaphore_mem>>
      %dma_start3A_97 = tpu.memref_slice %arg3[%add3A_18] : memref<98304xi32, #tpu.memory_space<hbm>> -> memref<256xi32, #tpu.memory_space<hbm>>
      %dma_start3A_98 = tpu.memref_slice %arg3[%add3A_18] : memref<98304xi32, #tpu.memory_space<hbm>> -> memref<256xi32, #tpu.memory_space<hbm>>
      tpu.enqueue_dma source(%dma_start3A_98 : memref<256xi32, #tpu.memory_space<hbm>>) target(%arg5 : memref<256xi32, #tpu.memory_space<vmem>>) target_semaphore(%run_scoped3A : memref<!tpu.dma_semaphore, #tpu.memory_space<semaphore_mem>>)
      %dma_wait3A_99 = tpu.memref_slice %arg3[%add3A_18] : memref<98304xi32, #tpu.memory_space<hbm>> -> memref<256xi32, #tpu.memory_space<hbm>>
      %dma_wait3A_100 = tpu.memref_slice %arg3[%add3A_18] : memref<98304xi32, #tpu.memory_space<hbm>> -> memref<256xi32, #tpu.memory_space<hbm>>
      tpu.wait_dma2 semaphore(%run_scoped3A : memref<!tpu.dma_semaphore, #tpu.memory_space<semaphore_mem>>) src(%dma_wait3A_100 : memref<256xi32, #tpu.memory_space<hbm>>) dst(%arg5 : memref<256xi32, #tpu.memory_space<vmem>>)
      tpu.yield
    }) : () -> ()
    %dma_start3A_19 = arith.constant 0 : i32
    %dma_start3A_20 = arith.constant 0 : i32
    %dma_start3A_21 = tpu.memref_slice %arg2[%dma_start3A_19, %dma_start3A_20] : memref<8192x128xf32, #tpu.memory_space<hbm>> -> memref<8192x128xf32, #tpu.memory_space<hbm>>
    tpu.enqueue_indirect_dma source(%dma_start3A_21 : memref<8192x128xf32, #tpu.memory_space<hbm>>) target(%arg6 : memref<256x128xf32, #tpu.memory_space<vmem>>) offsets(%arg5 : memref<256xi32, #tpu.memory_space<vmem>>) semaphore(%arg7 : memref<!tpu.dma_semaphore, #tpu.memory_space<semaphore_mem>>)
    %dma_wait3A_22 = arith.constant 0 : i32
    %dma_wait3A_23 = arith.constant 0 : i32
    %dma_wait3A_24 = tpu.memref_slice %arg2[%dma_wait3A_22, %dma_wait3A_23] : memref<8192x128xf32, #tpu.memory_space<hbm>> -> memref<8192x128xf32, #tpu.memory_space<hbm>>
    tpu.wait_indirect_dma semaphore(%arg7 : memref<!tpu.dma_semaphore, #tpu.memory_space<semaphore_mem>>) src(%dma_wait3A_24 : memref<8192x128xf32, #tpu.memory_space<hbm>>) dst(%arg6 : memref<256x128xf32, #tpu.memory_space<vmem>>)
    "tpu.region"() ({
      %run_scoped3A = tpu.sem_alloc : memref<!tpu.dma_semaphore, #tpu.memory_space<semaphore_mem>>
      %dma_start3A_97 = arith.constant 0 : i32
      %dma_start3A_98 = tpu.memref_slice %arg4[%add3A_18, %dma_start3A_97] : memref<98304x128xf32, #tpu.memory_space<hbm>> -> memref<256x128xf32, #tpu.memory_space<hbm>>
      %dma_start3A_99 = arith.constant 0 : i32
      %dma_start3A_100 = tpu.memref_slice %arg4[%add3A_18, %dma_start3A_99] : memref<98304x128xf32, #tpu.memory_space<hbm>> -> memref<256x128xf32, #tpu.memory_space<hbm>>
      tpu.enqueue_dma source(%arg6 : memref<256x128xf32, #tpu.memory_space<vmem>>) target(%dma_start3A_100 : memref<256x128xf32, #tpu.memory_space<hbm>>) target_semaphore(%run_scoped3A : memref<!tpu.dma_semaphore, #tpu.memory_space<semaphore_mem>>)
      %dma_wait3A_101 = arith.constant 0 : i32
      %dma_wait3A_102 = tpu.memref_slice %arg4[%add3A_18, %dma_wait3A_101] : memref<98304x128xf32, #tpu.memory_space<hbm>> -> memref<256x128xf32, #tpu.memory_space<hbm>>
      %dma_wait3A_103 = arith.constant 0 : i32
      %dma_wait3A_104 = tpu.memref_slice %arg4[%add3A_18, %dma_wait3A_103] : memref<98304x128xf32, #tpu.memory_space<hbm>> -> memref<256x128xf32, #tpu.memory_space<hbm>>
      tpu.wait_dma2 semaphore(%run_scoped3A : memref<!tpu.dma_semaphore, #tpu.memory_space<semaphore_mem>>) src(%arg6 : memref<256x128xf32, #tpu.memory_space<vmem>>) dst(%dma_wait3A_104 : memref<256x128xf32, #tpu.memory_space<hbm>>)
      tpu.yield
    }) : () -> ()
    %add3A_25 = arith.constant 768 : i32
    %add3A_26 = arith.addi %mul3A_2, %add3A_25 : i32
    "tpu.region"() ({
      %run_scoped3A = tpu.sem_alloc : memref<!tpu.dma_semaphore, #tpu.memory_space<semaphore_mem>>
      %dma_start3A_97 = tpu.memref_slice %arg3[%add3A_26] : memref<98304xi32, #tpu.memory_space<hbm>> -> memref<256xi32, #tpu.memory_space<hbm>>
      %dma_start3A_98 = tpu.memref_slice %arg3[%add3A_26] : memref<98304xi32, #tpu.memory_space<hbm>> -> memref<256xi32, #tpu.memory_space<hbm>>
      tpu.enqueue_dma source(%dma_start3A_98 : memref<256xi32, #tpu.memory_space<hbm>>) target(%arg5 : memref<256xi32, #tpu.memory_space<vmem>>) target_semaphore(%run_scoped3A : memref<!tpu.dma_semaphore, #tpu.memory_space<semaphore_mem>>)
      %dma_wait3A_99 = tpu.memref_slice %arg3[%add3A_26] : memref<98304xi32, #tpu.memory_space<hbm>> -> memref<256xi32, #tpu.memory_space<hbm>>
      %dma_wait3A_100 = tpu.memref_slice %arg3[%add3A_26] : memref<98304xi32, #tpu.memory_space<hbm>> -> memref<256xi32, #tpu.memory_space<hbm>>
      tpu.wait_dma2 semaphore(%run_scoped3A : memref<!tpu.dma_semaphore, #tpu.memory_space<semaphore_mem>>) src(%dma_wait3A_100 : memref<256xi32, #tpu.memory_space<hbm>>) dst(%arg5 : memref<256xi32, #tpu.memory_space<vmem>>)
      tpu.yield
    }) : () -> ()
    %dma_start3A_27 = arith.constant 0 : i32
    %dma_start3A_28 = arith.constant 0 : i32
    %dma_start3A_29 = tpu.memref_slice %arg2[%dma_start3A_27, %dma_start3A_28] : memref<8192x128xf32, #tpu.memory_space<hbm>> -> memref<8192x128xf32, #tpu.memory_space<hbm>>
    tpu.enqueue_indirect_dma source(%dma_start3A_29 : memref<8192x128xf32, #tpu.memory_space<hbm>>) target(%arg6 : memref<256x128xf32, #tpu.memory_space<vmem>>) offsets(%arg5 : memref<256xi32, #tpu.memory_space<vmem>>) semaphore(%arg7 : memref<!tpu.dma_semaphore, #tpu.memory_space<semaphore_mem>>)
    %dma_wait3A_30 = arith.constant 0 : i32
    %dma_wait3A_31 = arith.constant 0 : i32
    %dma_wait3A_32 = tpu.memref_slice %arg2[%dma_wait3A_30, %dma_wait3A_31] : memref<8192x128xf32, #tpu.memory_space<hbm>> -> memref<8192x128xf32, #tpu.memory_space<hbm>>
    tpu.wait_indirect_dma semaphore(%arg7 : memref<!tpu.dma_semaphore, #tpu.memory_space<semaphore_mem>>) src(%dma_wait3A_32 : memref<8192x128xf32, #tpu.memory_space<hbm>>) dst(%arg6 : memref<256x128xf32, #tpu.memory_space<vmem>>)
    "tpu.region"() ({
      %run_scoped3A = tpu.sem_alloc : memref<!tpu.dma_semaphore, #tpu.memory_space<semaphore_mem>>
      %dma_start3A_97 = arith.constant 0 : i32
      %dma_start3A_98 = tpu.memref_slice %arg4[%add3A_26, %dma_start3A_97] : memref<98304x128xf32, #tpu.memory_space<hbm>> -> memref<256x128xf32, #tpu.memory_space<hbm>>
      %dma_start3A_99 = arith.constant 0 : i32
      %dma_start3A_100 = tpu.memref_slice %arg4[%add3A_26, %dma_start3A_99] : memref<98304x128xf32, #tpu.memory_space<hbm>> -> memref<256x128xf32, #tpu.memory_space<hbm>>
      tpu.enqueue_dma source(%arg6 : memref<256x128xf32, #tpu.memory_space<vmem>>) target(%dma_start3A_100 : memref<256x128xf32, #tpu.memory_space<hbm>>) target_semaphore(%run_scoped3A : memref<!tpu.dma_semaphore, #tpu.memory_space<semaphore_mem>>)
      %dma_wait3A_101 = arith.constant 0 : i32
      %dma_wait3A_102 = tpu.memref_slice %arg4[%add3A_26, %dma_wait3A_101] : memref<98304x128xf32, #tpu.memory_space<hbm>> -> memref<256x128xf32, #tpu.memory_space<hbm>>
      %dma_wait3A_103 = arith.constant 0 : i32
      %dma_wait3A_104 = tpu.memref_slice %arg4[%add3A_26, %dma_wait3A_103] : memref<98304x128xf32, #tpu.memory_space<hbm>> -> memref<256x128xf32, #tpu.memory_space<hbm>>
      tpu.wait_dma2 semaphore(%run_scoped3A : memref<!tpu.dma_semaphore, #tpu.memory_space<semaphore_mem>>) src(%arg6 : memref<256x128xf32, #tpu.memory_space<vmem>>) dst(%dma_wait3A_104 : memref<256x128xf32, #tpu.memory_space<hbm>>)
      tpu.yield
    }) : () -> ()
    %add3A_33 = arith.constant 1024 : i32
    %add3A_34 = arith.addi %mul3A_2, %add3A_33 : i32
    "tpu.region"() ({
      %run_scoped3A = tpu.sem_alloc : memref<!tpu.dma_semaphore, #tpu.memory_space<semaphore_mem>>
      %dma_start3A_97 = tpu.memref_slice %arg3[%add3A_34] : memref<98304xi32, #tpu.memory_space<hbm>> -> memref<256xi32, #tpu.memory_space<hbm>>
      %dma_start3A_98 = tpu.memref_slice %arg3[%add3A_34] : memref<98304xi32, #tpu.memory_space<hbm>> -> memref<256xi32, #tpu.memory_space<hbm>>
      tpu.enqueue_dma source(%dma_start3A_98 : memref<256xi32, #tpu.memory_space<hbm>>) target(%arg5 : memref<256xi32, #tpu.memory_space<vmem>>) target_semaphore(%run_scoped3A : memref<!tpu.dma_semaphore, #tpu.memory_space<semaphore_mem>>)
      %dma_wait3A_99 = tpu.memref_slice %arg3[%add3A_34] : memref<98304xi32, #tpu.memory_space<hbm>> -> memref<256xi32, #tpu.memory_space<hbm>>
      %dma_wait3A_100 = tpu.memref_slice %arg3[%add3A_34] : memref<98304xi32, #tpu.memory_space<hbm>> -> memref<256xi32, #tpu.memory_space<hbm>>
      tpu.wait_dma2 semaphore(%run_scoped3A : memref<!tpu.dma_semaphore, #tpu.memory_space<semaphore_mem>>) src(%dma_wait3A_100 : memref<256xi32, #tpu.memory_space<hbm>>) dst(%arg5 : memref<256xi32, #tpu.memory_space<vmem>>)
      tpu.yield
    }) : () -> ()
    %dma_start3A_35 = arith.constant 0 : i32
    %dma_start3A_36 = arith.constant 0 : i32
    %dma_start3A_37 = tpu.memref_slice %arg2[%dma_start3A_35, %dma_start3A_36] : memref<8192x128xf32, #tpu.memory_space<hbm>> -> memref<8192x128xf32, #tpu.memory_space<hbm>>
    tpu.enqueue_indirect_dma source(%dma_start3A_37 : memref<8192x128xf32, #tpu.memory_space<hbm>>) target(%arg6 : memref<256x128xf32, #tpu.memory_space<vmem>>) offsets(%arg5 : memref<256xi32, #tpu.memory_space<vmem>>) semaphore(%arg7 : memref<!tpu.dma_semaphore, #tpu.memory_space<semaphore_mem>>)
    %dma_wait3A_38 = arith.constant 0 : i32
    %dma_wait3A_39 = arith.constant 0 : i32
    %dma_wait3A_40 = tpu.memref_slice %arg2[%dma_wait3A_38, %dma_wait3A_39] : memref<8192x128xf32, #tpu.memory_space<hbm>> -> memref<8192x128xf32, #tpu.memory_space<hbm>>
    tpu.wait_indirect_dma semaphore(%arg7 : memref<!tpu.dma_semaphore, #tpu.memory_space<semaphore_mem>>) src(%dma_wait3A_40 : memref<8192x128xf32, #tpu.memory_space<hbm>>) dst(%arg6 : memref<256x128xf32, #tpu.memory_space<vmem>>)
    "tpu.region"() ({
      %run_scoped3A = tpu.sem_alloc : memref<!tpu.dma_semaphore, #tpu.memory_space<semaphore_mem>>
      %dma_start3A_97 = arith.constant 0 : i32
      %dma_start3A_98 = tpu.memref_slice %arg4[%add3A_34, %dma_start3A_97] : memref<98304x128xf32, #tpu.memory_space<hbm>> -> memref<256x128xf32, #tpu.memory_space<hbm>>
      %dma_start3A_99 = arith.constant 0 : i32
      %dma_start3A_100 = tpu.memref_slice %arg4[%add3A_34, %dma_start3A_99] : memref<98304x128xf32, #tpu.memory_space<hbm>> -> memref<256x128xf32, #tpu.memory_space<hbm>>
      tpu.enqueue_dma source(%arg6 : memref<256x128xf32, #tpu.memory_space<vmem>>) target(%dma_start3A_100 : memref<256x128xf32, #tpu.memory_space<hbm>>) target_semaphore(%run_scoped3A : memref<!tpu.dma_semaphore, #tpu.memory_space<semaphore_mem>>)
      %dma_wait3A_101 = arith.constant 0 : i32
      %dma_wait3A_102 = tpu.memref_slice %arg4[%add3A_34, %dma_wait3A_101] : memref<98304x128xf32, #tpu.memory_space<hbm>> -> memref<256x128xf32, #tpu.memory_space<hbm>>
      %dma_wait3A_103 = arith.constant 0 : i32
      %dma_wait3A_104 = tpu.memref_slice %arg4[%add3A_34, %dma_wait3A_103] : memref<98304x128xf32, #tpu.memory_space<hbm>> -> memref<256x128xf32, #tpu.memory_space<hbm>>
      tpu.wait_dma2 semaphore(%run_scoped3A : memref<!tpu.dma_semaphore, #tpu.memory_space<semaphore_mem>>) src(%arg6 : memref<256x128xf32, #tpu.memory_space<vmem>>) dst(%dma_wait3A_104 : memref<256x128xf32, #tpu.memory_space<hbm>>)
      tpu.yield
    }) : () -> ()
    %add3A_41 = arith.constant 1280 : i32
    %add3A_42 = arith.addi %mul3A_2, %add3A_41 : i32
    "tpu.region"() ({
      %run_scoped3A = tpu.sem_alloc : memref<!tpu.dma_semaphore, #tpu.memory_space<semaphore_mem>>
      %dma_start3A_97 = tpu.memref_slice %arg3[%add3A_42] : memref<98304xi32, #tpu.memory_space<hbm>> -> memref<256xi32, #tpu.memory_space<hbm>>
      %dma_start3A_98 = tpu.memref_slice %arg3[%add3A_42] : memref<98304xi32, #tpu.memory_space<hbm>> -> memref<256xi32, #tpu.memory_space<hbm>>
      tpu.enqueue_dma source(%dma_start3A_98 : memref<256xi32, #tpu.memory_space<hbm>>) target(%arg5 : memref<256xi32, #tpu.memory_space<vmem>>) target_semaphore(%run_scoped3A : memref<!tpu.dma_semaphore, #tpu.memory_space<semaphore_mem>>)
      %dma_wait3A_99 = tpu.memref_slice %arg3[%add3A_42] : memref<98304xi32, #tpu.memory_space<hbm>> -> memref<256xi32, #tpu.memory_space<hbm>>
      %dma_wait3A_100 = tpu.memref_slice %arg3[%add3A_42] : memref<98304xi32, #tpu.memory_space<hbm>> -> memref<256xi32, #tpu.memory_space<hbm>>
      tpu.wait_dma2 semaphore(%run_scoped3A : memref<!tpu.dma_semaphore, #tpu.memory_space<semaphore_mem>>) src(%dma_wait3A_100 : memref<256xi32, #tpu.memory_space<hbm>>) dst(%arg5 : memref<256xi32, #tpu.memory_space<vmem>>)
      tpu.yield
    }) : () -> ()
    %dma_start3A_43 = arith.constant 0 : i32
    %dma_start3A_44 = arith.constant 0 : i32
    %dma_start3A_45 = tpu.memref_slice %arg2[%dma_start3A_43, %dma_start3A_44] : memref<8192x128xf32, #tpu.memory_space<hbm>> -> memref<8192x128xf32, #tpu.memory_space<hbm>>
    tpu.enqueue_indirect_dma source(%dma_start3A_45 : memref<8192x128xf32, #tpu.memory_space<hbm>>) target(%arg6 : memref<256x128xf32, #tpu.memory_space<vmem>>) offsets(%arg5 : memref<256xi32, #tpu.memory_space<vmem>>) semaphore(%arg7 : memref<!tpu.dma_semaphore, #tpu.memory_space<semaphore_mem>>)
    %dma_wait3A_46 = arith.constant 0 : i32
    %dma_wait3A_47 = arith.constant 0 : i32
    %dma_wait3A_48 = tpu.memref_slice %arg2[%dma_wait3A_46, %dma_wait3A_47] : memref<8192x128xf32, #tpu.memory_space<hbm>> -> memref<8192x128xf32, #tpu.memory_space<hbm>>
    tpu.wait_indirect_dma semaphore(%arg7 : memref<!tpu.dma_semaphore, #tpu.memory_space<semaphore_mem>>) src(%dma_wait3A_48 : memref<8192x128xf32, #tpu.memory_space<hbm>>) dst(%arg6 : memref<256x128xf32, #tpu.memory_space<vmem>>)
    "tpu.region"() ({
      %run_scoped3A = tpu.sem_alloc : memref<!tpu.dma_semaphore, #tpu.memory_space<semaphore_mem>>
      %dma_start3A_97 = arith.constant 0 : i32
      %dma_start3A_98 = tpu.memref_slice %arg4[%add3A_42, %dma_start3A_97] : memref<98304x128xf32, #tpu.memory_space<hbm>> -> memref<256x128xf32, #tpu.memory_space<hbm>>
      %dma_start3A_99 = arith.constant 0 : i32
      %dma_start3A_100 = tpu.memref_slice %arg4[%add3A_42, %dma_start3A_99] : memref<98304x128xf32, #tpu.memory_space<hbm>> -> memref<256x128xf32, #tpu.memory_space<hbm>>
      tpu.enqueue_dma source(%arg6 : memref<256x128xf32, #tpu.memory_space<vmem>>) target(%dma_start3A_100 : memref<256x128xf32, #tpu.memory_space<hbm>>) target_semaphore(%run_scoped3A : memref<!tpu.dma_semaphore, #tpu.memory_space<semaphore_mem>>)
      %dma_wait3A_101 = arith.constant 0 : i32
      %dma_wait3A_102 = tpu.memref_slice %arg4[%add3A_42, %dma_wait3A_101] : memref<98304x128xf32, #tpu.memory_space<hbm>> -> memref<256x128xf32, #tpu.memory_space<hbm>>
      %dma_wait3A_103 = arith.constant 0 : i32
      %dma_wait3A_104 = tpu.memref_slice %arg4[%add3A_42, %dma_wait3A_103] : memref<98304x128xf32, #tpu.memory_space<hbm>> -> memref<256x128xf32, #tpu.memory_space<hbm>>
      tpu.wait_dma2 semaphore(%run_scoped3A : memref<!tpu.dma_semaphore, #tpu.memory_space<semaphore_mem>>) src(%arg6 : memref<256x128xf32, #tpu.memory_space<vmem>>) dst(%dma_wait3A_104 : memref<256x128xf32, #tpu.memory_space<hbm>>)
      tpu.yield
    }) : () -> ()
    %add3A_49 = arith.constant 1536 : i32
    %add3A_50 = arith.addi %mul3A_2, %add3A_49 : i32
    "tpu.region"() ({
      %run_scoped3A = tpu.sem_alloc : memref<!tpu.dma_semaphore, #tpu.memory_space<semaphore_mem>>
      %dma_start3A_97 = tpu.memref_slice %arg3[%add3A_50] : memref<98304xi32, #tpu.memory_space<hbm>> -> memref<256xi32, #tpu.memory_space<hbm>>
      %dma_start3A_98 = tpu.memref_slice %arg3[%add3A_50] : memref<98304xi32, #tpu.memory_space<hbm>> -> memref<256xi32, #tpu.memory_space<hbm>>
      tpu.enqueue_dma source(%dma_start3A_98 : memref<256xi32, #tpu.memory_space<hbm>>) target(%arg5 : memref<256xi32, #tpu.memory_space<vmem>>) target_semaphore(%run_scoped3A : memref<!tpu.dma_semaphore, #tpu.memory_space<semaphore_mem>>)
      %dma_wait3A_99 = tpu.memref_slice %arg3[%add3A_50] : memref<98304xi32, #tpu.memory_space<hbm>> -> memref<256xi32, #tpu.memory_space<hbm>>
      %dma_wait3A_100 = tpu.memref_slice %arg3[%add3A_50] : memref<98304xi32, #tpu.memory_space<hbm>> -> memref<256xi32, #tpu.memory_space<hbm>>
      tpu.wait_dma2 semaphore(%run_scoped3A : memref<!tpu.dma_semaphore, #tpu.memory_space<semaphore_mem>>) src(%dma_wait3A_100 : memref<256xi32, #tpu.memory_space<hbm>>) dst(%arg5 : memref<256xi32, #tpu.memory_space<vmem>>)
      tpu.yield
    }) : () -> ()
    %dma_start3A_51 = arith.constant 0 : i32
    %dma_start3A_52 = arith.constant 0 : i32
    %dma_start3A_53 = tpu.memref_slice %arg2[%dma_start3A_51, %dma_start3A_52] : memref<8192x128xf32, #tpu.memory_space<hbm>> -> memref<8192x128xf32, #tpu.memory_space<hbm>>
    tpu.enqueue_indirect_dma source(%dma_start3A_53 : memref<8192x128xf32, #tpu.memory_space<hbm>>) target(%arg6 : memref<256x128xf32, #tpu.memory_space<vmem>>) offsets(%arg5 : memref<256xi32, #tpu.memory_space<vmem>>) semaphore(%arg7 : memref<!tpu.dma_semaphore, #tpu.memory_space<semaphore_mem>>)
    %dma_wait3A_54 = arith.constant 0 : i32
    %dma_wait3A_55 = arith.constant 0 : i32
    %dma_wait3A_56 = tpu.memref_slice %arg2[%dma_wait3A_54, %dma_wait3A_55] : memref<8192x128xf32, #tpu.memory_space<hbm>> -> memref<8192x128xf32, #tpu.memory_space<hbm>>
    tpu.wait_indirect_dma semaphore(%arg7 : memref<!tpu.dma_semaphore, #tpu.memory_space<semaphore_mem>>) src(%dma_wait3A_56 : memref<8192x128xf32, #tpu.memory_space<hbm>>) dst(%arg6 : memref<256x128xf32, #tpu.memory_space<vmem>>)
    "tpu.region"() ({
      %run_scoped3A = tpu.sem_alloc : memref<!tpu.dma_semaphore, #tpu.memory_space<semaphore_mem>>
      %dma_start3A_97 = arith.constant 0 : i32
      %dma_start3A_98 = tpu.memref_slice %arg4[%add3A_50, %dma_start3A_97] : memref<98304x128xf32, #tpu.memory_space<hbm>> -> memref<256x128xf32, #tpu.memory_space<hbm>>
      %dma_start3A_99 = arith.constant 0 : i32
      %dma_start3A_100 = tpu.memref_slice %arg4[%add3A_50, %dma_start3A_99] : memref<98304x128xf32, #tpu.memory_space<hbm>> -> memref<256x128xf32, #tpu.memory_space<hbm>>
      tpu.enqueue_dma source(%arg6 : memref<256x128xf32, #tpu.memory_space<vmem>>) target(%dma_start3A_100 : memref<256x128xf32, #tpu.memory_space<hbm>>) target_semaphore(%run_scoped3A : memref<!tpu.dma_semaphore, #tpu.memory_space<semaphore_mem>>)
      %dma_wait3A_101 = arith.constant 0 : i32
      %dma_wait3A_102 = tpu.memref_slice %arg4[%add3A_50, %dma_wait3A_101] : memref<98304x128xf32, #tpu.memory_space<hbm>> -> memref<256x128xf32, #tpu.memory_space<hbm>>
      %dma_wait3A_103 = arith.constant 0 : i32
      %dma_wait3A_104 = tpu.memref_slice %arg4[%add3A_50, %dma_wait3A_103] : memref<98304x128xf32, #tpu.memory_space<hbm>> -> memref<256x128xf32, #tpu.memory_space<hbm>>
      tpu.wait_dma2 semaphore(%run_scoped3A : memref<!tpu.dma_semaphore, #tpu.memory_space<semaphore_mem>>) src(%arg6 : memref<256x128xf32, #tpu.memory_space<vmem>>) dst(%dma_wait3A_104 : memref<256x128xf32, #tpu.memory_space<hbm>>)
      tpu.yield
    }) : () -> ()
    %add3A_57 = arith.constant 1792 : i32
    %add3A_58 = arith.addi %mul3A_2, %add3A_57 : i32
    "tpu.region"() ({
      %run_scoped3A = tpu.sem_alloc : memref<!tpu.dma_semaphore, #tpu.memory_space<semaphore_mem>>
      %dma_start3A_97 = tpu.memref_slice %arg3[%add3A_58] : memref<98304xi32, #tpu.memory_space<hbm>> -> memref<256xi32, #tpu.memory_space<hbm>>
      %dma_start3A_98 = tpu.memref_slice %arg3[%add3A_58] : memref<98304xi32, #tpu.memory_space<hbm>> -> memref<256xi32, #tpu.memory_space<hbm>>
      tpu.enqueue_dma source(%dma_start3A_98 : memref<256xi32, #tpu.memory_space<hbm>>) target(%arg5 : memref<256xi32, #tpu.memory_space<vmem>>) target_semaphore(%run_scoped3A : memref<!tpu.dma_semaphore, #tpu.memory_space<semaphore_mem>>)
      %dma_wait3A_99 = tpu.memref_slice %arg3[%add3A_58] : memref<98304xi32, #tpu.memory_space<hbm>> -> memref<256xi32, #tpu.memory_space<hbm>>
      %dma_wait3A_100 = tpu.memref_slice %arg3[%add3A_58] : memref<98304xi32, #tpu.memory_space<hbm>> -> memref<256xi32, #tpu.memory_space<hbm>>
      tpu.wait_dma2 semaphore(%run_scoped3A : memref<!tpu.dma_semaphore, #tpu.memory_space<semaphore_mem>>) src(%dma_wait3A_100 : memref<256xi32, #tpu.memory_space<hbm>>) dst(%arg5 : memref<256xi32, #tpu.memory_space<vmem>>)
      tpu.yield
    }) : () -> ()
    %dma_start3A_59 = arith.constant 0 : i32
    %dma_start3A_60 = arith.constant 0 : i32
    %dma_start3A_61 = tpu.memref_slice %arg2[%dma_start3A_59, %dma_start3A_60] : memref<8192x128xf32, #tpu.memory_space<hbm>> -> memref<8192x128xf32, #tpu.memory_space<hbm>>
    tpu.enqueue_indirect_dma source(%dma_start3A_61 : memref<8192x128xf32, #tpu.memory_space<hbm>>) target(%arg6 : memref<256x128xf32, #tpu.memory_space<vmem>>) offsets(%arg5 : memref<256xi32, #tpu.memory_space<vmem>>) semaphore(%arg7 : memref<!tpu.dma_semaphore, #tpu.memory_space<semaphore_mem>>)
    %dma_wait3A_62 = arith.constant 0 : i32
    %dma_wait3A_63 = arith.constant 0 : i32
    %dma_wait3A_64 = tpu.memref_slice %arg2[%dma_wait3A_62, %dma_wait3A_63] : memref<8192x128xf32, #tpu.memory_space<hbm>> -> memref<8192x128xf32, #tpu.memory_space<hbm>>
    tpu.wait_indirect_dma semaphore(%arg7 : memref<!tpu.dma_semaphore, #tpu.memory_space<semaphore_mem>>) src(%dma_wait3A_64 : memref<8192x128xf32, #tpu.memory_space<hbm>>) dst(%arg6 : memref<256x128xf32, #tpu.memory_space<vmem>>)
    "tpu.region"() ({
      %run_scoped3A = tpu.sem_alloc : memref<!tpu.dma_semaphore, #tpu.memory_space<semaphore_mem>>
      %dma_start3A_97 = arith.constant 0 : i32
      %dma_start3A_98 = tpu.memref_slice %arg4[%add3A_58, %dma_start3A_97] : memref<98304x128xf32, #tpu.memory_space<hbm>> -> memref<256x128xf32, #tpu.memory_space<hbm>>
      %dma_start3A_99 = arith.constant 0 : i32
      %dma_start3A_100 = tpu.memref_slice %arg4[%add3A_58, %dma_start3A_99] : memref<98304x128xf32, #tpu.memory_space<hbm>> -> memref<256x128xf32, #tpu.memory_space<hbm>>
      tpu.enqueue_dma source(%arg6 : memref<256x128xf32, #tpu.memory_space<vmem>>) target(%dma_start3A_100 : memref<256x128xf32, #tpu.memory_space<hbm>>) target_semaphore(%run_scoped3A : memref<!tpu.dma_semaphore, #tpu.memory_space<semaphore_mem>>)
      %dma_wait3A_101 = arith.constant 0 : i32
      %dma_wait3A_102 = tpu.memref_slice %arg4[%add3A_58, %dma_wait3A_101] : memref<98304x128xf32, #tpu.memory_space<hbm>> -> memref<256x128xf32, #tpu.memory_space<hbm>>
      %dma_wait3A_103 = arith.constant 0 : i32
      %dma_wait3A_104 = tpu.memref_slice %arg4[%add3A_58, %dma_wait3A_103] : memref<98304x128xf32, #tpu.memory_space<hbm>> -> memref<256x128xf32, #tpu.memory_space<hbm>>
      tpu.wait_dma2 semaphore(%run_scoped3A : memref<!tpu.dma_semaphore, #tpu.memory_space<semaphore_mem>>) src(%arg6 : memref<256x128xf32, #tpu.memory_space<vmem>>) dst(%dma_wait3A_104 : memref<256x128xf32, #tpu.memory_space<hbm>>)
      tpu.yield
    }) : () -> ()
    %add3A_65 = arith.constant 2048 : i32
    %add3A_66 = arith.addi %mul3A_2, %add3A_65 : i32
    "tpu.region"() ({
      %run_scoped3A = tpu.sem_alloc : memref<!tpu.dma_semaphore, #tpu.memory_space<semaphore_mem>>
      %dma_start3A_97 = tpu.memref_slice %arg3[%add3A_66] : memref<98304xi32, #tpu.memory_space<hbm>> -> memref<256xi32, #tpu.memory_space<hbm>>
      %dma_start3A_98 = tpu.memref_slice %arg3[%add3A_66] : memref<98304xi32, #tpu.memory_space<hbm>> -> memref<256xi32, #tpu.memory_space<hbm>>
      tpu.enqueue_dma source(%dma_start3A_98 : memref<256xi32, #tpu.memory_space<hbm>>) target(%arg5 : memref<256xi32, #tpu.memory_space<vmem>>) target_semaphore(%run_scoped3A : memref<!tpu.dma_semaphore, #tpu.memory_space<semaphore_mem>>)
      %dma_wait3A_99 = tpu.memref_slice %arg3[%add3A_66] : memref<98304xi32, #tpu.memory_space<hbm>> -> memref<256xi32, #tpu.memory_space<hbm>>
      %dma_wait3A_100 = tpu.memref_slice %arg3[%add3A_66] : memref<98304xi32, #tpu.memory_space<hbm>> -> memref<256xi32, #tpu.memory_space<hbm>>
      tpu.wait_dma2 semaphore(%run_scoped3A : memref<!tpu.dma_semaphore, #tpu.memory_space<semaphore_mem>>) src(%dma_wait3A_100 : memref<256xi32, #tpu.memory_space<hbm>>) dst(%arg5 : memref<256xi32, #tpu.memory_space<vmem>>)
      tpu.yield
    }) : () -> ()
    %dma_start3A_67 = arith.constant 0 : i32
    %dma_start3A_68 = arith.constant 0 : i32
    %dma_start3A_69 = tpu.memref_slice %arg2[%dma_start3A_67, %dma_start3A_68] : memref<8192x128xf32, #tpu.memory_space<hbm>> -> memref<8192x128xf32, #tpu.memory_space<hbm>>
    tpu.enqueue_indirect_dma source(%dma_start3A_69 : memref<8192x128xf32, #tpu.memory_space<hbm>>) target(%arg6 : memref<256x128xf32, #tpu.memory_space<vmem>>) offsets(%arg5 : memref<256xi32, #tpu.memory_space<vmem>>) semaphore(%arg7 : memref<!tpu.dma_semaphore, #tpu.memory_space<semaphore_mem>>)
    %dma_wait3A_70 = arith.constant 0 : i32
    %dma_wait3A_71 = arith.constant 0 : i32
    %dma_wait3A_72 = tpu.memref_slice %arg2[%dma_wait3A_70, %dma_wait3A_71] : memref<8192x128xf32, #tpu.memory_space<hbm>> -> memref<8192x128xf32, #tpu.memory_space<hbm>>
    tpu.wait_indirect_dma semaphore(%arg7 : memref<!tpu.dma_semaphore, #tpu.memory_space<semaphore_mem>>) src(%dma_wait3A_72 : memref<8192x128xf32, #tpu.memory_space<hbm>>) dst(%arg6 : memref<256x128xf32, #tpu.memory_space<vmem>>)
    "tpu.region"() ({
      %run_scoped3A = tpu.sem_alloc : memref<!tpu.dma_semaphore, #tpu.memory_space<semaphore_mem>>
      %dma_start3A_97 = arith.constant 0 : i32
      %dma_start3A_98 = tpu.memref_slice %arg4[%add3A_66, %dma_start3A_97] : memref<98304x128xf32, #tpu.memory_space<hbm>> -> memref<256x128xf32, #tpu.memory_space<hbm>>
      %dma_start3A_99 = arith.constant 0 : i32
      %dma_start3A_100 = tpu.memref_slice %arg4[%add3A_66, %dma_start3A_99] : memref<98304x128xf32, #tpu.memory_space<hbm>> -> memref<256x128xf32, #tpu.memory_space<hbm>>
      tpu.enqueue_dma source(%arg6 : memref<256x128xf32, #tpu.memory_space<vmem>>) target(%dma_start3A_100 : memref<256x128xf32, #tpu.memory_space<hbm>>) target_semaphore(%run_scoped3A : memref<!tpu.dma_semaphore, #tpu.memory_space<semaphore_mem>>)
      %dma_wait3A_101 = arith.constant 0 : i32
      %dma_wait3A_102 = tpu.memref_slice %arg4[%add3A_66, %dma_wait3A_101] : memref<98304x128xf32, #tpu.memory_space<hbm>> -> memref<256x128xf32, #tpu.memory_space<hbm>>
      %dma_wait3A_103 = arith.constant 0 : i32
      %dma_wait3A_104 = tpu.memref_slice %arg4[%add3A_66, %dma_wait3A_103] : memref<98304x128xf32, #tpu.memory_space<hbm>> -> memref<256x128xf32, #tpu.memory_space<hbm>>
      tpu.wait_dma2 semaphore(%run_scoped3A : memref<!tpu.dma_semaphore, #tpu.memory_space<semaphore_mem>>) src(%arg6 : memref<256x128xf32, #tpu.memory_space<vmem>>) dst(%dma_wait3A_104 : memref<256x128xf32, #tpu.memory_space<hbm>>)
      tpu.yield
    }) : () -> ()
    %add3A_73 = arith.constant 2304 : i32
    %add3A_74 = arith.addi %mul3A_2, %add3A_73 : i32
    "tpu.region"() ({
      %run_scoped3A = tpu.sem_alloc : memref<!tpu.dma_semaphore, #tpu.memory_space<semaphore_mem>>
      %dma_start3A_97 = tpu.memref_slice %arg3[%add3A_74] : memref<98304xi32, #tpu.memory_space<hbm>> -> memref<256xi32, #tpu.memory_space<hbm>>
      %dma_start3A_98 = tpu.memref_slice %arg3[%add3A_74] : memref<98304xi32, #tpu.memory_space<hbm>> -> memref<256xi32, #tpu.memory_space<hbm>>
      tpu.enqueue_dma source(%dma_start3A_98 : memref<256xi32, #tpu.memory_space<hbm>>) target(%arg5 : memref<256xi32, #tpu.memory_space<vmem>>) target_semaphore(%run_scoped3A : memref<!tpu.dma_semaphore, #tpu.memory_space<semaphore_mem>>)
      %dma_wait3A_99 = tpu.memref_slice %arg3[%add3A_74] : memref<98304xi32, #tpu.memory_space<hbm>> -> memref<256xi32, #tpu.memory_space<hbm>>
      %dma_wait3A_100 = tpu.memref_slice %arg3[%add3A_74] : memref<98304xi32, #tpu.memory_space<hbm>> -> memref<256xi32, #tpu.memory_space<hbm>>
      tpu.wait_dma2 semaphore(%run_scoped3A : memref<!tpu.dma_semaphore, #tpu.memory_space<semaphore_mem>>) src(%dma_wait3A_100 : memref<256xi32, #tpu.memory_space<hbm>>) dst(%arg5 : memref<256xi32, #tpu.memory_space<vmem>>)
      tpu.yield
    }) : () -> ()
    %dma_start3A_75 = arith.constant 0 : i32
    %dma_start3A_76 = arith.constant 0 : i32
    %dma_start3A_77 = tpu.memref_slice %arg2[%dma_start3A_75, %dma_start3A_76] : memref<8192x128xf32, #tpu.memory_space<hbm>> -> memref<8192x128xf32, #tpu.memory_space<hbm>>
    tpu.enqueue_indirect_dma source(%dma_start3A_77 : memref<8192x128xf32, #tpu.memory_space<hbm>>) target(%arg6 : memref<256x128xf32, #tpu.memory_space<vmem>>) offsets(%arg5 : memref<256xi32, #tpu.memory_space<vmem>>) semaphore(%arg7 : memref<!tpu.dma_semaphore, #tpu.memory_space<semaphore_mem>>)
    %dma_wait3A_78 = arith.constant 0 : i32
    %dma_wait3A_79 = arith.constant 0 : i32
    %dma_wait3A_80 = tpu.memref_slice %arg2[%dma_wait3A_78, %dma_wait3A_79] : memref<8192x128xf32, #tpu.memory_space<hbm>> -> memref<8192x128xf32, #tpu.memory_space<hbm>>
    tpu.wait_indirect_dma semaphore(%arg7 : memref<!tpu.dma_semaphore, #tpu.memory_space<semaphore_mem>>) src(%dma_wait3A_80 : memref<8192x128xf32, #tpu.memory_space<hbm>>) dst(%arg6 : memref<256x128xf32, #tpu.memory_space<vmem>>)
    "tpu.region"() ({
      %run_scoped3A = tpu.sem_alloc : memref<!tpu.dma_semaphore, #tpu.memory_space<semaphore_mem>>
      %dma_start3A_97 = arith.constant 0 : i32
      %dma_start3A_98 = tpu.memref_slice %arg4[%add3A_74, %dma_start3A_97] : memref<98304x128xf32, #tpu.memory_space<hbm>> -> memref<256x128xf32, #tpu.memory_space<hbm>>
      %dma_start3A_99 = arith.constant 0 : i32
      %dma_start3A_100 = tpu.memref_slice %arg4[%add3A_74, %dma_start3A_99] : memref<98304x128xf32, #tpu.memory_space<hbm>> -> memref<256x128xf32, #tpu.memory_space<hbm>>
      tpu.enqueue_dma source(%arg6 : memref<256x128xf32, #tpu.memory_space<vmem>>) target(%dma_start3A_100 : memref<256x128xf32, #tpu.memory_space<hbm>>) target_semaphore(%run_scoped3A : memref<!tpu.dma_semaphore, #tpu.memory_space<semaphore_mem>>)
      %dma_wait3A_101 = arith.constant 0 : i32
      %dma_wait3A_102 = tpu.memref_slice %arg4[%add3A_74, %dma_wait3A_101] : memref<98304x128xf32, #tpu.memory_space<hbm>> -> memref<256x128xf32, #tpu.memory_space<hbm>>
      %dma_wait3A_103 = arith.constant 0 : i32
      %dma_wait3A_104 = tpu.memref_slice %arg4[%add3A_74, %dma_wait3A_103] : memref<98304x128xf32, #tpu.memory_space<hbm>> -> memref<256x128xf32, #tpu.memory_space<hbm>>
      tpu.wait_dma2 semaphore(%run_scoped3A : memref<!tpu.dma_semaphore, #tpu.memory_space<semaphore_mem>>) src(%arg6 : memref<256x128xf32, #tpu.memory_space<vmem>>) dst(%dma_wait3A_104 : memref<256x128xf32, #tpu.memory_space<hbm>>)
      tpu.yield
    }) : () -> ()
    %add3A_81 = arith.constant 2560 : i32
    %add3A_82 = arith.addi %mul3A_2, %add3A_81 : i32
    "tpu.region"() ({
      %run_scoped3A = tpu.sem_alloc : memref<!tpu.dma_semaphore, #tpu.memory_space<semaphore_mem>>
      %dma_start3A_97 = tpu.memref_slice %arg3[%add3A_82] : memref<98304xi32, #tpu.memory_space<hbm>> -> memref<256xi32, #tpu.memory_space<hbm>>
      %dma_start3A_98 = tpu.memref_slice %arg3[%add3A_82] : memref<98304xi32, #tpu.memory_space<hbm>> -> memref<256xi32, #tpu.memory_space<hbm>>
      tpu.enqueue_dma source(%dma_start3A_98 : memref<256xi32, #tpu.memory_space<hbm>>) target(%arg5 : memref<256xi32, #tpu.memory_space<vmem>>) target_semaphore(%run_scoped3A : memref<!tpu.dma_semaphore, #tpu.memory_space<semaphore_mem>>)
      %dma_wait3A_99 = tpu.memref_slice %arg3[%add3A_82] : memref<98304xi32, #tpu.memory_space<hbm>> -> memref<256xi32, #tpu.memory_space<hbm>>
      %dma_wait3A_100 = tpu.memref_slice %arg3[%add3A_82] : memref<98304xi32, #tpu.memory_space<hbm>> -> memref<256xi32, #tpu.memory_space<hbm>>
      tpu.wait_dma2 semaphore(%run_scoped3A : memref<!tpu.dma_semaphore, #tpu.memory_space<semaphore_mem>>) src(%dma_wait3A_100 : memref<256xi32, #tpu.memory_space<hbm>>) dst(%arg5 : memref<256xi32, #tpu.memory_space<vmem>>)
      tpu.yield
    }) : () -> ()
    %dma_start3A_83 = arith.constant 0 : i32
    %dma_start3A_84 = arith.constant 0 : i32
    %dma_start3A_85 = tpu.memref_slice %arg2[%dma_start3A_83, %dma_start3A_84] : memref<8192x128xf32, #tpu.memory_space<hbm>> -> memref<8192x128xf32, #tpu.memory_space<hbm>>
    tpu.enqueue_indirect_dma source(%dma_start3A_85 : memref<8192x128xf32, #tpu.memory_space<hbm>>) target(%arg6 : memref<256x128xf32, #tpu.memory_space<vmem>>) offsets(%arg5 : memref<256xi32, #tpu.memory_space<vmem>>) semaphore(%arg7 : memref<!tpu.dma_semaphore, #tpu.memory_space<semaphore_mem>>)
    %dma_wait3A_86 = arith.constant 0 : i32
    %dma_wait3A_87 = arith.constant 0 : i32
    %dma_wait3A_88 = tpu.memref_slice %arg2[%dma_wait3A_86, %dma_wait3A_87] : memref<8192x128xf32, #tpu.memory_space<hbm>> -> memref<8192x128xf32, #tpu.memory_space<hbm>>
    tpu.wait_indirect_dma semaphore(%arg7 : memref<!tpu.dma_semaphore, #tpu.memory_space<semaphore_mem>>) src(%dma_wait3A_88 : memref<8192x128xf32, #tpu.memory_space<hbm>>) dst(%arg6 : memref<256x128xf32, #tpu.memory_space<vmem>>)
    "tpu.region"() ({
      %run_scoped3A = tpu.sem_alloc : memref<!tpu.dma_semaphore, #tpu.memory_space<semaphore_mem>>
      %dma_start3A_97 = arith.constant 0 : i32
      %dma_start3A_98 = tpu.memref_slice %arg4[%add3A_82, %dma_start3A_97] : memref<98304x128xf32, #tpu.memory_space<hbm>> -> memref<256x128xf32, #tpu.memory_space<hbm>>
      %dma_start3A_99 = arith.constant 0 : i32
      %dma_start3A_100 = tpu.memref_slice %arg4[%add3A_82, %dma_start3A_99] : memref<98304x128xf32, #tpu.memory_space<hbm>> -> memref<256x128xf32, #tpu.memory_space<hbm>>
      tpu.enqueue_dma source(%arg6 : memref<256x128xf32, #tpu.memory_space<vmem>>) target(%dma_start3A_100 : memref<256x128xf32, #tpu.memory_space<hbm>>) target_semaphore(%run_scoped3A : memref<!tpu.dma_semaphore, #tpu.memory_space<semaphore_mem>>)
      %dma_wait3A_101 = arith.constant 0 : i32
      %dma_wait3A_102 = tpu.memref_slice %arg4[%add3A_82, %dma_wait3A_101] : memref<98304x128xf32, #tpu.memory_space<hbm>> -> memref<256x128xf32, #tpu.memory_space<hbm>>
      %dma_wait3A_103 = arith.constant 0 : i32
      %dma_wait3A_104 = tpu.memref_slice %arg4[%add3A_82, %dma_wait3A_103] : memref<98304x128xf32, #tpu.memory_space<hbm>> -> memref<256x128xf32, #tpu.memory_space<hbm>>
      tpu.wait_dma2 semaphore(%run_scoped3A : memref<!tpu.dma_semaphore, #tpu.memory_space<semaphore_mem>>) src(%arg6 : memref<256x128xf32, #tpu.memory_space<vmem>>) dst(%dma_wait3A_104 : memref<256x128xf32, #tpu.memory_space<hbm>>)
      tpu.yield
    }) : () -> ()
    %add3A_89 = arith.constant 2816 : i32
    %add3A_90 = arith.addi %mul3A_2, %add3A_89 : i32
    "tpu.region"() ({
      %run_scoped3A = tpu.sem_alloc : memref<!tpu.dma_semaphore, #tpu.memory_space<semaphore_mem>>
      %dma_start3A_97 = tpu.memref_slice %arg3[%add3A_90] : memref<98304xi32, #tpu.memory_space<hbm>> -> memref<256xi32, #tpu.memory_space<hbm>>
      %dma_start3A_98 = tpu.memref_slice %arg3[%add3A_90] : memref<98304xi32, #tpu.memory_space<hbm>> -> memref<256xi32, #tpu.memory_space<hbm>>
      tpu.enqueue_dma source(%dma_start3A_98 : memref<256xi32, #tpu.memory_space<hbm>>) target(%arg5 : memref<256xi32, #tpu.memory_space<vmem>>) target_semaphore(%run_scoped3A : memref<!tpu.dma_semaphore, #tpu.memory_space<semaphore_mem>>)
      %dma_wait3A_99 = tpu.memref_slice %arg3[%add3A_90] : memref<98304xi32, #tpu.memory_space<hbm>> -> memref<256xi32, #tpu.memory_space<hbm>>
      %dma_wait3A_100 = tpu.memref_slice %arg3[%add3A_90] : memref<98304xi32, #tpu.memory_space<hbm>> -> memref<256xi32, #tpu.memory_space<hbm>>
      tpu.wait_dma2 semaphore(%run_scoped3A : memref<!tpu.dma_semaphore, #tpu.memory_space<semaphore_mem>>) src(%dma_wait3A_100 : memref<256xi32, #tpu.memory_space<hbm>>) dst(%arg5 : memref<256xi32, #tpu.memory_space<vmem>>)
      tpu.yield
    }) : () -> ()
    %dma_start3A_91 = arith.constant 0 : i32
    %dma_start3A_92 = arith.constant 0 : i32
    %dma_start3A_93 = tpu.memref_slice %arg2[%dma_start3A_91, %dma_start3A_92] : memref<8192x128xf32, #tpu.memory_space<hbm>> -> memref<8192x128xf32, #tpu.memory_space<hbm>>
    tpu.enqueue_indirect_dma source(%dma_start3A_93 : memref<8192x128xf32, #tpu.memory_space<hbm>>) target(%arg6 : memref<256x128xf32, #tpu.memory_space<vmem>>) offsets(%arg5 : memref<256xi32, #tpu.memory_space<vmem>>) semaphore(%arg7 : memref<!tpu.dma_semaphore, #tpu.memory_space<semaphore_mem>>)
    %dma_wait3A_94 = arith.constant 0 : i32
    %dma_wait3A_95 = arith.constant 0 : i32
    %dma_wait3A_96 = tpu.memref_slice %arg2[%dma_wait3A_94, %dma_wait3A_95] : memref<8192x128xf32, #tpu.memory_space<hbm>> -> memref<8192x128xf32, #tpu.memory_space<hbm>>
    tpu.wait_indirect_dma semaphore(%arg7 : memref<!tpu.dma_semaphore, #tpu.memory_space<semaphore_mem>>) src(%dma_wait3A_96 : memref<8192x128xf32, #tpu.memory_space<hbm>>) dst(%arg6 : memref<256x128xf32, #tpu.memory_space<vmem>>)
    "tpu.region"() ({
      %run_scoped3A = tpu.sem_alloc : memref<!tpu.dma_semaphore, #tpu.memory_space<semaphore_mem>>
      %dma_start3A_97 = arith.constant 0 : i32
      %dma_start3A_98 = tpu.memref_slice %arg4[%add3A_90, %dma_start3A_97] : memref<98304x128xf32, #tpu.memory_space<hbm>> -> memref<256x128xf32, #tpu.memory_space<hbm>>
      %dma_start3A_99 = arith.constant 0 : i32
      %dma_start3A_100 = tpu.memref_slice %arg4[%add3A_90, %dma_start3A_99] : memref<98304x128xf32, #tpu.memory_space<hbm>> -> memref<256x128xf32, #tpu.memory_space<hbm>>
      tpu.enqueue_dma source(%arg6 : memref<256x128xf32, #tpu.memory_space<vmem>>) target(%dma_start3A_100 : memref<256x128xf32, #tpu.memory_space<hbm>>) target_semaphore(%run_scoped3A : memref<!tpu.dma_semaphore, #tpu.memory_space<semaphore_mem>>)
      %dma_wait3A_101 = arith.constant 0 : i32
      %dma_wait3A_102 = tpu.memref_slice %arg4[%add3A_90, %dma_wait3A_101] : memref<98304x128xf32, #tpu.memory_space<hbm>> -> memref<256x128xf32, #tpu.memory_space<hbm>>
      %dma_wait3A_103 = arith.constant 0 : i32
      %dma_wait3A_104 = tpu.memref_slice %arg4[%add3A_90, %dma_wait3A_103] : memref<98304x128xf32, #tpu.memory_space<hbm>> -> memref<256x128xf32, #tpu.memory_space<hbm>>
      tpu.wait_dma2 semaphore(%run_scoped3A : memref<!tpu.dma_semaphore, #tpu.memory_space<semaphore_mem>>) src(%arg6 : memref<256x128xf32, #tpu.memory_space<vmem>>) dst(%dma_wait3A_104 : memref<256x128xf32, #tpu.memory_space<hbm>>)
      tpu.yield
    }) : () -> ()
    return
  }
}

module attributes {stable_mosaic.version = 14 : i64} {
  func.func @_knn_body(%arg0: i32, %arg1: i32, %arg2: memref<1x512x3xf32, #tpu.memory_space<vmem>>, %arg3: memref<1x1024x3xf32, #tpu.memory_space<vmem>>, %arg4: memref<1x512x3xi32, #tpu.memory_space<vmem>>, %arg5: memref<1x512x3xf32, #tpu.memory_space<vmem>>) attributes {dimension_semantics = [#tpu.dimension_semantics<arbitrary>, #tpu.dimension_semantics<arbitrary>], iteration_bounds = array<i64: 8, 8>, scalar_prefetch = 0 : i64, scratch_operands = 0 : i64, tpu.core_type = #tpu.core_type<tc>, window_params = [{transform_indices = @transform_0, window_bounds = array<i64: 1, 512, 3>}, {transform_indices = @transform_1, window_bounds = array<i64: 1, 1024, 3>}, {transform_indices = @transform_2, window_bounds = array<i64: 1, 512, 3>}, {transform_indices = @transform_3, window_bounds = array<i64: 1, 512, 3>}]} {
    %get3A = arith.constant 0 : index
    %get3A_0 = arith.constant 0 : index
    %get3A_1 = arith.constant 0 : index
    %get3A_2 = vector.load %arg2[%get3A, %get3A_0, %get3A_1] : memref<1x512x3xf32, #tpu.memory_space<vmem>>, vector<1x512x3xf32>
    %get3A_3 = vector.shape_cast %get3A_2 : vector<1x512x3xf32> to vector<512x3xf32>
    %get3A_4 = arith.constant 0 : index
    %get3A_5 = arith.constant 0 : index
    %get3A_6 = arith.constant 0 : index
    %get3A_7 = vector.load %arg3[%get3A_4, %get3A_5, %get3A_6] : memref<1x1024x3xf32, #tpu.memory_space<vmem>>, vector<1x1024x3xf32>
    %get3A_8 = vector.shape_cast %get3A_7 : vector<1x1024x3xf32> to vector<1024x3xf32>
    %mul3A = arith.mulf %get3A_3, %get3A_3 : vector<512x3xf32>
    %reduce_sum3A = arith.constant dense<0.000000e+00> : vector<512xf32>
    %reduce_sum3A_9 = vector.multi_reduction <add>, %mul3A, %reduce_sum3A [1] : vector<512x3xf32> to vector<512xf32>
    %broadcast_in_dim3A = vector.shape_cast %reduce_sum3A_9 : vector<512xf32> to vector<512x1xf32>
    %mul3A_10 = arith.mulf %get3A_8, %get3A_8 : vector<1024x3xf32>
    %reduce_sum3A_11 = arith.constant dense<0.000000e+00> : vector<1024xf32>
    %reduce_sum3A_12 = vector.multi_reduction <add>, %mul3A_10, %reduce_sum3A_11 [1] : vector<1024x3xf32> to vector<1024xf32>
    %broadcast_in_dim3A_13 = vector.shape_cast %reduce_sum3A_12 : vector<1024xf32> to vector<1024x1xf32>
    %broadcast_in_dim3A_14 = arith.constant 1.000000e+00 : f32
    %broadcast_in_dim3A_15 = vector.broadcast %broadcast_in_dim3A_14 : f32 to vector<512x1xf32>
    %concatenate3A = tpu.concatenate %get3A_3, %broadcast_in_dim3A, %broadcast_in_dim3A_15 in 1 : vector<512x3xf32>, vector<512x1xf32>, vector<512x1xf32> -> vector<512x5xf32>
    %mul3A_16 = arith.constant -2.000000e+00 : f32
    %mul3A_17 = vector.broadcast %mul3A_16 : f32 to vector<1024x3xf32>
    %mul3A_18 = arith.mulf %mul3A_17, %get3A_8 : vector<1024x3xf32>
    %broadcast_in_dim3A_19 = arith.constant 1.000000e+00 : f32
    %broadcast_in_dim3A_20 = vector.broadcast %broadcast_in_dim3A_19 : f32 to vector<1024x1xf32>
    %concatenate3A_21 = tpu.concatenate %mul3A_18, %broadcast_in_dim3A_20, %broadcast_in_dim3A_13 in 1 : vector<1024x3xf32>, vector<1024x1xf32>, vector<1024x1xf32> -> vector<1024x5xf32>
    %dot_general3A = arith.constant dense<0.000000e+00> : vector<512x1024xf32>
    %dot_general3A_22 = tpu.matmul %concatenate3A, %concatenate3A_21, %dot_general3A {dimension_numbers = #tpu.dot_dimension_numbers<[1], [1], [0], [0], [0, 0, 1, 0], [], []>, transpose_lhs_hint = false} : vector<512x5xf32>, vector<1024x5xf32>, vector<512x1024xf32> -> vector<512x1024xf32>
    %iota3A = tpu.iota {dimensions = array<i32: 1>} : vector<512x1024xi32>
    %convert_element_type3A = arith.sitofp %iota3A : vector<512x1024xi32> to vector<512x1024xf32>
    %reduce_min3A = arith.constant dense<0x7F800000> : vector<512xf32>
    %reduce_min3A_23 = vector.multi_reduction <minimumf>, %dot_general3A_22, %reduce_min3A [1] : vector<512x1024xf32> to vector<512xf32>
    %broadcast_in_dim3A_24 = vector.shape_cast %reduce_min3A_23 : vector<512xf32> to vector<512x1xf32>
    %eq3A = vector.broadcast %broadcast_in_dim3A_24 : vector<512x1xf32> to vector<512x1024xf32>
    %eq3A_25 = arith.cmpf oeq, %dot_general3A_22, %eq3A : vector<512x1024xf32>
    %jit3A = arith.constant 1.024000e+03 : f32
    %broadcast_in_dim3A_26 = vector.broadcast %jit3A : f32 to vector<512x1024xf32>
    %select_n3A = arith.select %eq3A_25, %convert_element_type3A, %broadcast_in_dim3A_26 : vector<512x1024xi1>, vector<512x1024xf32>
    %reduce_min3A_27 = arith.constant dense<0x7F800000> : vector<512xf32>
    %reduce_min3A_28 = vector.multi_reduction <minimumf>, %select_n3A, %reduce_min3A_27 [1] : vector<512x1024xf32> to vector<512xf32>
    %broadcast_in_dim3A_29 = vector.shape_cast %reduce_min3A_28 : vector<512xf32> to vector<512x1xf32>
    %eq3A_30 = vector.broadcast %broadcast_in_dim3A_29 : vector<512x1xf32> to vector<512x1024xf32>
    %eq3A_31 = arith.cmpf oeq, %convert_element_type3A, %eq3A_30 : vector<512x1024xf32>
    %jit3A_32 = arith.constant 0x7F800000 : f32
    %broadcast_in_dim3A_33 = vector.broadcast %jit3A_32 : f32 to vector<512x1024xf32>
    %select_n3A_34 = arith.select %eq3A_31, %broadcast_in_dim3A_33, %dot_general3A_22 : vector<512x1024xi1>, vector<512x1024xf32>
    %reduce_min3A_35 = arith.constant dense<0x7F800000> : vector<512xf32>
    %reduce_min3A_36 = vector.multi_reduction <minimumf>, %select_n3A_34, %reduce_min3A_35 [1] : vector<512x1024xf32> to vector<512xf32>
    %broadcast_in_dim3A_37 = vector.shape_cast %reduce_min3A_36 : vector<512xf32> to vector<512x1xf32>
    %eq3A_38 = vector.broadcast %broadcast_in_dim3A_37 : vector<512x1xf32> to vector<512x1024xf32>
    %eq3A_39 = arith.cmpf oeq, %select_n3A_34, %eq3A_38 : vector<512x1024xf32>
    %jit3A_40 = arith.constant 1.024000e+03 : f32
    %broadcast_in_dim3A_41 = vector.broadcast %jit3A_40 : f32 to vector<512x1024xf32>
    %select_n3A_42 = arith.select %eq3A_39, %convert_element_type3A, %broadcast_in_dim3A_41 : vector<512x1024xi1>, vector<512x1024xf32>
    %reduce_min3A_43 = arith.constant dense<0x7F800000> : vector<512xf32>
    %reduce_min3A_44 = vector.multi_reduction <minimumf>, %select_n3A_42, %reduce_min3A_43 [1] : vector<512x1024xf32> to vector<512xf32>
    %broadcast_in_dim3A_45 = vector.shape_cast %reduce_min3A_44 : vector<512xf32> to vector<512x1xf32>
    %eq3A_46 = vector.broadcast %broadcast_in_dim3A_45 : vector<512x1xf32> to vector<512x1024xf32>
    %eq3A_47 = arith.cmpf oeq, %convert_element_type3A, %eq3A_46 : vector<512x1024xf32>
    %jit3A_48 = arith.constant 0x7F800000 : f32
    %broadcast_in_dim3A_49 = vector.broadcast %jit3A_48 : f32 to vector<512x1024xf32>
    %select_n3A_50 = arith.select %eq3A_47, %broadcast_in_dim3A_49, %select_n3A_34 : vector<512x1024xi1>, vector<512x1024xf32>
    %reduce_min3A_51 = arith.constant dense<0x7F800000> : vector<512xf32>
    %reduce_min3A_52 = vector.multi_reduction <minimumf>, %select_n3A_50, %reduce_min3A_51 [1] : vector<512x1024xf32> to vector<512xf32>
    %broadcast_in_dim3A_53 = vector.shape_cast %reduce_min3A_52 : vector<512xf32> to vector<512x1xf32>
    %eq3A_54 = vector.broadcast %broadcast_in_dim3A_53 : vector<512x1xf32> to vector<512x1024xf32>
    %eq3A_55 = arith.cmpf oeq, %select_n3A_50, %eq3A_54 : vector<512x1024xf32>
    %jit3A_56 = arith.constant 1.024000e+03 : f32
    %broadcast_in_dim3A_57 = vector.broadcast %jit3A_56 : f32 to vector<512x1024xf32>
    %select_n3A_58 = arith.select %eq3A_55, %convert_element_type3A, %broadcast_in_dim3A_57 : vector<512x1024xi1>, vector<512x1024xf32>
    %reduce_min3A_59 = arith.constant dense<0x7F800000> : vector<512xf32>
    %reduce_min3A_60 = vector.multi_reduction <minimumf>, %select_n3A_58, %reduce_min3A_59 [1] : vector<512x1024xf32> to vector<512xf32>
    %broadcast_in_dim3A_61 = vector.shape_cast %reduce_min3A_60 : vector<512xf32> to vector<512x1xf32>
    %add3A = arith.constant 9.99999993E-9 : f32
    %add3A_62 = vector.broadcast %add3A : f32 to vector<512x1xf32>
    %add3A_63 = arith.addf %broadcast_in_dim3A_24, %add3A_62 : vector<512x1xf32>
    %div3A = arith.constant 1.000000e+00 : f32
    %div3A_64 = vector.broadcast %div3A : f32 to vector<512x1xf32>
    %div3A_65 = arith.divf %div3A_64, %add3A_63 : vector<512x1xf32>
    %add3A_66 = arith.constant 9.99999993E-9 : f32
    %add3A_67 = vector.broadcast %add3A_66 : f32 to vector<512x1xf32>
    %add3A_68 = arith.addf %broadcast_in_dim3A_37, %add3A_67 : vector<512x1xf32>
    %div3A_69 = arith.constant 1.000000e+00 : f32
    %div3A_70 = vector.broadcast %div3A_69 : f32 to vector<512x1xf32>
    %div3A_71 = arith.divf %div3A_70, %add3A_68 : vector<512x1xf32>
    %add3A_72 = arith.constant 9.99999993E-9 : f32
    %add3A_73 = vector.broadcast %add3A_72 : f32 to vector<512x1xf32>
    %add3A_74 = arith.addf %broadcast_in_dim3A_53, %add3A_73 : vector<512x1xf32>
    %div3A_75 = arith.constant 1.000000e+00 : f32
    %div3A_76 = vector.broadcast %div3A_75 : f32 to vector<512x1xf32>
    %div3A_77 = arith.divf %div3A_76, %add3A_74 : vector<512x1xf32>
    %add3A_78 = arith.addf %div3A_65, %div3A_71 : vector<512x1xf32>
    %add3A_79 = arith.addf %add3A_78, %div3A_77 : vector<512x1xf32>
    %div3A_80 = arith.divf %div3A_65, %add3A_79 : vector<512x1xf32>
    %div3A_81 = arith.divf %div3A_71, %add3A_79 : vector<512x1xf32>
    %div3A_82 = arith.divf %div3A_77, %add3A_79 : vector<512x1xf32>
    %concatenate3A_83 = tpu.concatenate %div3A_80, %div3A_81, %div3A_82 in 1 : vector<512x1xf32>, vector<512x1xf32>, vector<512x1xf32> -> vector<512x3xf32>
    %swap3A = arith.constant 0 : index
    %swap3A_84 = arith.constant 0 : index
    %swap3A_85 = arith.constant 0 : index
    %swap3A_86 = vector.load %arg5[%swap3A, %swap3A_84, %swap3A_85] : memref<1x512x3xf32, #tpu.memory_space<vmem>>, vector<1x512x3xf32>
    %swap3A_87 = vector.shape_cast %swap3A_86 : vector<1x512x3xf32> to vector<512x3xf32>
    %swap3A_88 = vector.shape_cast %concatenate3A_83 : vector<512x3xf32> to vector<1x512x3xf32>
    tpu.vector_store %arg5[%swap3A, %swap3A_84, %swap3A_85], %swap3A_88 {strides = array<i32>} : memref<1x512x3xf32, #tpu.memory_space<vmem>>, vector<1x512x3xf32>,
    %convert_element_type3A_89 = arith.fptosi %broadcast_in_dim3A_29 : vector<512x1xf32> to vector<512x1xi32>
    %convert_element_type3A_90 = arith.fptosi %broadcast_in_dim3A_45 : vector<512x1xf32> to vector<512x1xi32>
    %convert_element_type3A_91 = arith.fptosi %broadcast_in_dim3A_61 : vector<512x1xf32> to vector<512x1xi32>
    %concatenate3A_92 = tpu.concatenate %convert_element_type3A_89, %convert_element_type3A_90, %convert_element_type3A_91 in 1 : vector<512x1xi32>, vector<512x1xi32>, vector<512x1xi32> -> vector<512x3xi32>
    %mul3A_93 = arith.constant 1024 : i32
    %mul3A_94 = arith.muli %arg0, %mul3A_93 : i32
    %add3A_95 = vector.broadcast %mul3A_94 : i32 to vector<512x3xi32>
    %add3A_96 = arith.addi %concatenate3A_92, %add3A_95 : vector<512x3xi32>
    %swap3A_97 = arith.constant 0 : index
    %swap3A_98 = arith.constant 0 : index
    %swap3A_99 = arith.constant 0 : index
    %swap3A_100 = vector.load %arg4[%swap3A_97, %swap3A_98, %swap3A_99] : memref<1x512x3xi32, #tpu.memory_space<vmem>>, vector<1x512x3xi32>
    %swap3A_101 = vector.shape_cast %swap3A_100 : vector<1x512x3xi32> to vector<512x3xi32>
    %swap3A_102 = vector.shape_cast %add3A_96 : vector<512x3xi32> to vector<1x512x3xi32>
    tpu.vector_store %arg4[%swap3A_97, %swap3A_98, %swap3A_99], %swap3A_102 {strides = array<i32>} : memref<1x512x3xi32, #tpu.memory_space<vmem>>, vector<1x512x3xi32>,
    return
  }
  func.func @transform_0(%arg0: i32, %arg1: i32) -> (i32, i32, i32) {
    %c0_i32 = arith.constant 0 : i32
    %c0_i32_0 = arith.constant 0 : i32
    return %arg0, %arg1, %c0_i32 : i32, i32, i32
  }
  func.func @transform_1(%arg0: i32, %arg1: i32) -> (i32, i32, i32) {
    %c0_i32 = arith.constant 0 : i32
    %c0_i32_0 = arith.constant 0 : i32
    %c0_i32_1 = arith.constant 0 : i32
    return %arg0, %c0_i32, %c0_i32_0 : i32, i32, i32
  }
  func.func @transform_2(%arg0: i32, %arg1: i32) -> (i32, i32, i32) {
    %c0_i32 = arith.constant 0 : i32
    %c0_i32_0 = arith.constant 0 : i32
    return %arg0, %arg1, %c0_i32 : i32, i32, i32
  }
  func.func @transform_3(%arg0: i32, %arg1: i32) -> (i32, i32, i32) {
    %c0_i32 = arith.constant 0 : i32
    %c0_i32_0 = arith.constant 0 : i32
    return %arg0, %arg1, %c0_i32 : i32, i32, i32
  }
}

module attributes {stable_mosaic.version = 14 : i64} {
  func.func @_mlp_body(%arg0: i32, %arg1: i32, %arg2: memref<1x128x512xf32, #tpu.memory_space<vmem>>, %arg3: memref<1x512x384xf32, #tpu.memory_space<vmem>>, %arg4: memref<1x512x3xf32, #tpu.memory_space<vmem>>, %arg5: memref<4096x256xf32, #tpu.memory_space<vmem>>, %arg6: memref<256x128xf32, #tpu.memory_space<vmem>>, %arg7: memref<1x256xf32, #tpu.memory_space<vmem>>, %arg8: memref<1x256xf32, #tpu.memory_space<vmem>>, %arg9: memref<1x256xf32, #tpu.memory_space<vmem>>, %arg10: memref<1x128xf32, #tpu.memory_space<vmem>>, %arg11: memref<1x128xf32, #tpu.memory_space<vmem>>, %arg12: memref<1x128xf32, #tpu.memory_space<vmem>>, %arg13: memref<1x256x128xf32, #tpu.memory_space<vmem>>, %arg14: memref<256x256xf32, #tpu.memory_space<vmem>>) attributes {dimension_semantics = [#tpu.dimension_semantics<arbitrary>, #tpu.dimension_semantics<arbitrary>], iteration_bounds = array<i64: 8, 8>, scalar_prefetch = 0 : i64, scratch_operands = 1 : i64, tpu.core_type = #tpu.core_type<tc>, window_params = [{transform_indices = @transform_0, window_bounds = array<i64: 1, 128, 512>}, {transform_indices = @transform_1, window_bounds = array<i64: 1, 512, 384>}, {transform_indices = @transform_2, window_bounds = array<i64: 1, 512, 3>}, {pipeline_mode = #tpu.pipeline_mode<synchronous>, transform_indices = @transform_3, window_bounds = array<i64: 4096, 256>}, {pipeline_mode = #tpu.pipeline_mode<synchronous>, transform_indices = @transform_4, window_bounds = array<i64: 256, 128>}, {pipeline_mode = #tpu.pipeline_mode<synchronous>, transform_indices = @transform_5, window_bounds = array<i64: 1, 256>}, {pipeline_mode = #tpu.pipeline_mode<synchronous>, transform_indices = @transform_6, window_bounds = array<i64: 1, 256>}, {pipeline_mode = #tpu.pipeline_mode<synchronous>, transform_indices = @transform_7, window_bounds = array<i64: 1, 256>}, {pipeline_mode = #tpu.pipeline_mode<synchronous>, transform_indices = @transform_8, window_bounds = array<i64: 1, 128>}, {pipeline_mode = #tpu.pipeline_mode<synchronous>, transform_indices = @transform_9, window_bounds = array<i64: 1, 128>}, {pipeline_mode = #tpu.pipeline_mode<synchronous>, transform_indices = @transform_10, window_bounds = array<i64: 1, 128>}, {transform_indices = @transform_11, window_bounds = array<i64: 1, 256, 128>}]} {
    %get3A = arith.constant 0 : index
    %get3A_0 = arith.constant 0 : index
    %get3A_1 = arith.constant 0 : index
    %get3A_2 = vector.load %arg2[%get3A, %get3A_0, %get3A_1] : memref<1x128x512xf32, #tpu.memory_space<vmem>>, vector<1x128x512xf32>
    %get3A_3 = vector.shape_cast %get3A_2 : vector<1x128x512xf32> to vector<128x512xf32>
    %get3A_4 = arith.constant 0 : index
    %get3A_5 = arith.constant 0 : index
    %get3A_6 = arith.constant 0 : index
    %get3A_7 = vector.load %arg3[%get3A_4, %get3A_5, %get3A_6] : memref<1x512x384xf32, #tpu.memory_space<vmem>>, vector<1x512x384xf32>
    %get3A_8 = vector.shape_cast %get3A_7 : vector<1x512x384xf32> to vector<512x384xf32>
    %get3A_9 = arith.constant 0 : index
    %get3A_10 = arith.constant 0 : index
    %get3A_11 = arith.constant 0 : index
    %get3A_12 = vector.load %arg4[%get3A_9, %get3A_10, %get3A_11] : memref<1x512x3xf32, #tpu.memory_space<vmem>>, vector<1x512x3xf32>
    %get3A_13 = vector.shape_cast %get3A_12 : vector<1x512x3xf32> to vector<512x3xf32>
    %slice3A = vector.extract_strided_slice %get3A_8 {offsets = [0, 0], sizes = [512, 128], strides = [1, 1]} : vector<512x384xf32> to vector<512x128xf32>
    %slice3A_14 = vector.extract_strided_slice %get3A_13 {offsets = [0, 0], sizes = [512, 1], strides = [1, 1]} : vector<512x3xf32> to vector<512x1xf32>
    %mul3A = vector.broadcast %slice3A_14 : vector<512x1xf32> to vector<512x128xf32>
    %mul3A_15 = arith.mulf %slice3A, %mul3A : vector<512x128xf32>
    %slice3A_16 = vector.extract_strided_slice %get3A_8 {offsets = [0, 128], sizes = [512, 128], strides = [1, 1]} : vector<512x384xf32> to vector<512x128xf32>
    %slice3A_17 = vector.extract_strided_slice %get3A_13 {offsets = [0, 1], sizes = [512, 1], strides = [1, 1]} : vector<512x3xf32> to vector<512x1xf32>
    %mul3A_18 = vector.broadcast %slice3A_17 : vector<512x1xf32> to vector<512x128xf32>
    %mul3A_19 = arith.mulf %slice3A_16, %mul3A_18 : vector<512x128xf32>
    %add3A = arith.addf %mul3A_15, %mul3A_19 : vector<512x128xf32>
    %slice3A_20 = vector.extract_strided_slice %get3A_8 {offsets = [0, 256], sizes = [512, 128], strides = [1, 1]} : vector<512x384xf32> to vector<512x128xf32>
    %slice3A_21 = vector.extract_strided_slice %get3A_13 {offsets = [0, 2], sizes = [512, 1], strides = [1, 1]} : vector<512x3xf32> to vector<512x1xf32>
    %mul3A_22 = vector.broadcast %slice3A_21 : vector<512x1xf32> to vector<512x128xf32>
    %mul3A_23 = arith.mulf %slice3A_20, %mul3A_22 : vector<512x128xf32>
    %add3A_24 = arith.addf %add3A, %mul3A_23 : vector<512x128xf32>
    %mul3A_25 = arith.constant 512 : i32
    %mul3A_26 = arith.muli %arg1, %mul3A_25 : i32
    %get3A_27 = arith.index_cast %mul3A_26 : i32 to index
    %get3A_28 = arith.constant 0 : index
    %get3A_29 = vector.load %arg5[%get3A_27, %get3A_28] : memref<4096x256xf32, #tpu.memory_space<vmem>>, vector<512x256xf32>
    %dot_general3A = arith.constant dense<0.000000e+00> : vector<128x256xf32>
    %dot_general3A_30 = tpu.matmul %get3A_3, %get3A_29, %dot_general3A {dimension_numbers = #tpu.dot_dimension_numbers<[1], [0], [0], [1], [0, 0, 1, 1], [], []>, transpose_lhs_hint = false} : vector<128x512xf32>, vector<512x256xf32>, vector<128x256xf32> -> vector<128x256xf32>
    %dot_general3A_31 = arith.constant dense<0.000000e+00> : vector<128x256xf32>
    %dot_general3A_32 = tpu.matmul %add3A_24, %get3A_29, %dot_general3A_31 {dimension_numbers = #tpu.dot_dimension_numbers<[0], [0], [1], [1], [0, 1, 1, 1], [], []>, transpose_lhs_hint = false} : vector<512x128xf32>, vector<512x256xf32>, vector<128x256xf32> -> vector<128x256xf32>
    %concatenate3A = tpu.concatenate %dot_general3A_30, %dot_general3A_32 in 0 : vector<128x256xf32>, vector<128x256xf32> -> vector<256x256xf32>
    %eq3A = arith.constant 0 : i32
    %eq3A_33 = arith.cmpi eq, %arg1, %eq3A : i32
    %convert_element_type3A = arith.extui %eq3A_33 : i1 to i32
    %cond3A = arith.constant 0 : i32
    %cond3A_34 = arith.cmpi ne, %convert_element_type3A, %cond3A : i32
    scf.if %cond3A_34 {
      %swap3A = arith.constant 0 : index
      %swap3A_44 = arith.constant 0 : index
      %swap3A_45 = vector.load %arg14[%swap3A, %swap3A_44] : memref<256x256xf32, #tpu.memory_space<vmem>>, vector<256x256xf32>
      tpu.vector_store %arg14[%swap3A, %swap3A_44], %concatenate3A {strides = array<i32>} : memref<256x256xf32, #tpu.memory_space<vmem>>, vector<256x256xf32>,
    } else {
    }
    %gt3A = arith.constant 0 : i32
    %gt3A_35 = arith.cmpi sgt, %arg1, %gt3A : i32
    %convert_element_type3A_36 = arith.extui %gt3A_35 : i1 to i32
    %cond3A_37 = arith.constant 0 : i32
    %cond3A_38 = arith.cmpi ne, %convert_element_type3A_36, %cond3A_37 : i32
    scf.if %cond3A_38 {
      %get3A_44 = arith.constant 0 : index
      %get3A_45 = arith.constant 0 : index
      %get3A_46 = vector.load %arg14[%get3A_44, %get3A_45] : memref<256x256xf32, #tpu.memory_space<vmem>>, vector<256x256xf32>
      %add3A_47 = arith.addf %get3A_46, %concatenate3A : vector<256x256xf32>
      %swap3A = arith.constant 0 : index
      %swap3A_48 = arith.constant 0 : index
      %swap3A_49 = vector.load %arg14[%swap3A, %swap3A_48] : memref<256x256xf32, #tpu.memory_space<vmem>>, vector<256x256xf32>
      tpu.vector_store %arg14[%swap3A, %swap3A_48], %add3A_47 {strides = array<i32>} : memref<256x256xf32, #tpu.memory_space<vmem>>, vector<256x256xf32>,
    } else {
    }
    %eq3A_39 = arith.constant 7 : i32
    %eq3A_40 = arith.cmpi eq, %arg1, %eq3A_39 : i32
    %convert_element_type3A_41 = arith.extui %eq3A_40 : i1 to i32
    %cond3A_42 = arith.constant 0 : i32
    %cond3A_43 = arith.cmpi ne, %convert_element_type3A_41, %cond3A_42 : i32
    scf.if %cond3A_43 {
      %get3A_44 = arith.constant 0 : index
      %get3A_45 = arith.constant 0 : index
      %get3A_46 = vector.load %arg14[%get3A_44, %get3A_45] : memref<256x256xf32, #tpu.memory_space<vmem>>, vector<256x256xf32>
      %get3A_47 = arith.constant 0 : index
      %get3A_48 = arith.constant 0 : index
      %get3A_49 = vector.load %arg7[%get3A_47, %get3A_48] : memref<1x256xf32, #tpu.memory_space<vmem>>, vector<1x256xf32>
      %add3A_50 = vector.broadcast %get3A_49 : vector<1x256xf32> to vector<256x256xf32>
      %add3A_51 = arith.addf %get3A_46, %add3A_50 : vector<256x256xf32>
      %mul3A_52 = arith.constant 0.999994993 : f32
      %mul3A_53 = vector.broadcast %mul3A_52 : f32 to vector<256x256xf32>
      %mul3A_54 = arith.mulf %add3A_51, %mul3A_53 : vector<256x256xf32>
      %get3A_55 = arith.constant 0 : index
      %get3A_56 = arith.constant 0 : index
      %get3A_57 = vector.load %arg8[%get3A_55, %get3A_56] : memref<1x256xf32, #tpu.memory_space<vmem>>, vector<1x256xf32>
      %mul3A_58 = vector.broadcast %get3A_57 : vector<1x256xf32> to vector<256x256xf32>
      %mul3A_59 = arith.mulf %mul3A_54, %mul3A_58 : vector<256x256xf32>
      %get3A_60 = arith.constant 0 : index
      %get3A_61 = arith.constant 0 : index
      %get3A_62 = vector.load %arg9[%get3A_60, %get3A_61] : memref<1x256xf32, #tpu.memory_space<vmem>>, vector<1x256xf32>
      %add3A_63 = vector.broadcast %get3A_62 : vector<1x256xf32> to vector<256x256xf32>
      %add3A_64 = arith.addf %mul3A_59, %add3A_63 : vector<256x256xf32>
      %max3A = arith.constant 0.000000e+00 : f32
      %max3A_65 = vector.broadcast %max3A : f32 to vector<256x256xf32>
      %max3A_66 = arith.maximumf %add3A_64, %max3A_65 : vector<256x256xf32>
      %get3A_67 = arith.constant 0 : index
      %get3A_68 = arith.constant 0 : index
      %get3A_69 = vector.load %arg6[%get3A_67, %get3A_68] : memref<256x128xf32, #tpu.memory_space<vmem>>, vector<256x128xf32>
      %dot_general3A_70 = arith.constant dense<0.000000e+00> : vector<256x128xf32>
      %dot_general3A_71 = tpu.matmul %max3A_66, %get3A_69, %dot_general3A_70 {dimension_numbers = #tpu.dot_dimension_numbers<[1], [0], [0], [1], [0, 0, 1, 1], [], []>, transpose_lhs_hint = false} : vector<256x256xf32>, vector<256x128xf32>, vector<256x128xf32> -> vector<256x128xf32>
      %get3A_72 = arith.constant 0 : index
      %get3A_73 = arith.constant 0 : index
      %get3A_74 = vector.load %arg10[%get3A_72, %get3A_73] : memref<1x128xf32, #tpu.memory_space<vmem>>, vector<1x128xf32>
      %add3A_75 = vector.broadcast %get3A_74 : vector<1x128xf32> to vector<256x128xf32>
      %add3A_76 = arith.addf %dot_general3A_71, %add3A_75 : vector<256x128xf32>
      %mul3A_77 = arith.constant 0.999994993 : f32
      %mul3A_78 = vector.broadcast %mul3A_77 : f32 to vector<256x128xf32>
      %mul3A_79 = arith.mulf %add3A_76, %mul3A_78 : vector<256x128xf32>
      %get3A_80 = arith.constant 0 : index
      %get3A_81 = arith.constant 0 : index
      %get3A_82 = vector.load %arg11[%get3A_80, %get3A_81] : memref<1x128xf32, #tpu.memory_space<vmem>>, vector<1x128xf32>
      %mul3A_83 = vector.broadcast %get3A_82 : vector<1x128xf32> to vector<256x128xf32>
      %mul3A_84 = arith.mulf %mul3A_79, %mul3A_83 : vector<256x128xf32>
      %get3A_85 = arith.constant 0 : index
      %get3A_86 = arith.constant 0 : index
      %get3A_87 = vector.load %arg12[%get3A_85, %get3A_86] : memref<1x128xf32, #tpu.memory_space<vmem>>, vector<1x128xf32>
      %add3A_88 = vector.broadcast %get3A_87 : vector<1x128xf32> to vector<256x128xf32>
      %add3A_89 = arith.addf %mul3A_84, %add3A_88 : vector<256x128xf32>
      %max3A_90 = arith.constant 0.000000e+00 : f32
      %max3A_91 = vector.broadcast %max3A_90 : f32 to vector<256x128xf32>
      %max3A_92 = arith.maximumf %add3A_89, %max3A_91 : vector<256x128xf32>
      %swap3A = arith.constant 0 : index
      %swap3A_93 = arith.constant 0 : index
      %swap3A_94 = arith.constant 0 : index
      %swap3A_95 = vector.load %arg13[%swap3A, %swap3A_93, %swap3A_94] : memref<1x256x128xf32, #tpu.memory_space<vmem>>, vector<1x256x128xf32>
      %swap3A_96 = vector.shape_cast %swap3A_95 : vector<1x256x128xf32> to vector<256x128xf32>
      %swap3A_97 = vector.shape_cast %max3A_92 : vector<256x128xf32> to vector<1x256x128xf32>
      tpu.vector_store %arg13[%swap3A, %swap3A_93, %swap3A_94], %swap3A_97 {strides = array<i32>} : memref<1x256x128xf32, #tpu.memory_space<vmem>>, vector<1x256x128xf32>,
    } else {
    }
    return
  }
  func.func @transform_0(%arg0: i32, %arg1: i32) -> (i32, i32, i32) {
    %c0_i32 = arith.constant 0 : i32
    %c0_i32_0 = arith.constant 0 : i32
    return %arg0, %c0_i32, %arg1 : i32, i32, i32
  }
  func.func @transform_1(%arg0: i32, %arg1: i32) -> (i32, i32, i32) {
    %c0_i32 = arith.constant 0 : i32
    %c0_i32_0 = arith.constant 0 : i32
    return %arg0, %arg1, %c0_i32 : i32, i32, i32
  }
  func.func @transform_2(%arg0: i32, %arg1: i32) -> (i32, i32, i32) {
    %c0_i32 = arith.constant 0 : i32
    %c0_i32_0 = arith.constant 0 : i32
    return %arg0, %arg1, %c0_i32 : i32, i32, i32
  }
  func.func @transform_3(%arg0: i32, %arg1: i32) -> (i32, i32) {
    %c0_i32 = arith.constant 0 : i32
    %c0_i32_0 = arith.constant 0 : i32
    %c0_i32_1 = arith.constant 0 : i32
    return %c0_i32, %c0_i32_0 : i32, i32
  }
  func.func @transform_4(%arg0: i32, %arg1: i32) -> (i32, i32) {
    %c0_i32 = arith.constant 0 : i32
    %c0_i32_0 = arith.constant 0 : i32
    %c0_i32_1 = arith.constant 0 : i32
    return %c0_i32, %c0_i32_0 : i32, i32
  }
  func.func @transform_5(%arg0: i32, %arg1: i32) -> (i32, i32) {
    %c0_i32 = arith.constant 0 : i32
    %c0_i32_0 = arith.constant 0 : i32
    %c0_i32_1 = arith.constant 0 : i32
    return %c0_i32, %c0_i32_0 : i32, i32
  }
  func.func @transform_6(%arg0: i32, %arg1: i32) -> (i32, i32) {
    %c0_i32 = arith.constant 0 : i32
    %c0_i32_0 = arith.constant 0 : i32
    %c0_i32_1 = arith.constant 0 : i32
    return %c0_i32, %c0_i32_0 : i32, i32
  }
  func.func @transform_7(%arg0: i32, %arg1: i32) -> (i32, i32) {
    %c0_i32 = arith.constant 0 : i32
    %c0_i32_0 = arith.constant 0 : i32
    %c0_i32_1 = arith.constant 0 : i32
    return %c0_i32, %c0_i32_0 : i32, i32
  }
  func.func @transform_8(%arg0: i32, %arg1: i32) -> (i32, i32) {
    %c0_i32 = arith.constant 0 : i32
    %c0_i32_0 = arith.constant 0 : i32
    %c0_i32_1 = arith.constant 0 : i32
    return %c0_i32, %c0_i32_0 : i32, i32
  }
  func.func @transform_9(%arg0: i32, %arg1: i32) -> (i32, i32) {
    %c0_i32 = arith.constant 0 : i32
    %c0_i32_0 = arith.constant 0 : i32
    %c0_i32_1 = arith.constant 0 : i32
    return %c0_i32, %c0_i32_0 : i32, i32
  }
  func.func @transform_10(%arg0: i32, %arg1: i32) -> (i32, i32) {
    %c0_i32 = arith.constant 0 : i32
    %c0_i32_0 = arith.constant 0 : i32
    %c0_i32_1 = arith.constant 0 : i32
    return %c0_i32, %c0_i32_0 : i32, i32
  }
  func.func @transform_11(%arg0: i32, %arg1: i32) -> (i32, i32, i32) {
    %c0_i32 = arith.constant 0 : i32
    %c0_i32_0 = arith.constant 0 : i32
    %c0_i32_1 = arith.constant 0 : i32
    return %arg0, %c0_i32, %c0_i32_0 : i32, i32, i32
  }
}

</mosaic_0001>

<sc_bundles>
// kernel: kernel.5.cloned.1.call-start
scs
__scs_entry_jumppad:
0x0: {  	(pc) =	sbr.rel $0x88, $3  }
0x1: {  	(tag) =	ssettag $0x0;
	lr =	simm.s32 $0x1  }
0x2: {  	[smem:$0x3F95] =	sst lr;
	_ =	strace $0xD0000000  }
0x3: {  	_ = 	snop  }
0x4: {  	_ = 	snop  }
0x5: {  	_ = 	snop  }
0x6: {  	_ = 	snop  }
0x7: {  	_ = 	snop  }
__scs_overlays_trampoline_lowered:
0x8: {  	[smem:$0x3FA4] =	sst s0  }
0x9: {  	[smem:$0x3FA5] =	sst s1  }
0xa: {  	[smem:$0x3FA6] =	sst s2  }
0xb: {  	[smem:$0x3FA7] =	sst s3  }
0xc: {  	[smem:$0x3FA8] =	sst s4  }
0xd: {  	[smem:$0x3FA9] =	sst s5  }
0xe: {  	[smem:$0x3FAA] =	sst s6  }
0xf: {  	[smem:$0x3FAB] =	sst s7  }
0x10: {  	[smem:$0x3FAC] =	sst s8  }
0x11: {  	[smem:$0x3FAD] =	sst s9;
	s0 =	simm.s32 @!p0 $0x0  }
0x12: {  	s1 =	sld [smem:$0x3F93];
	s0 =	simm.s32 @p0 $0x1  }
0x13: {  	[smem:$0x3FAE] =	sst s0;
	s0 =	simm.s32 @!p1 $0x0  }
0x14: {  	s2 =	sld [smem:$0x3F92];
	s0 =	simm.s32 @p1 $0x1  }
0x15: {  	[smem:$0x3FAF] =	sst s0;
	s0 =	simm.s32 @!p2 $0x0  }
0x16: {  	s3 =	sld [smem:$0x3FDB];
	s0 =	simm.s32 @p2 $0x1  }
0x17: {  	s4 =	simm.s32 $0x1BF5;
	[smem:$0x3FB1] =	sst s0  }
0x18: {  	s0 =	sld [smem:$0x3F94];
	_ =	swait.ge [sflag:s4], $0x0  }
0x19: {  	s7 =	sld [smem:$0x3F95]  }
0x1a: {  	s8 =	sadd.s32 $0xFFFFE003, lr  }
0x1b: {  	s9 =	sadd.s32 $0xFFFFFEF7, lr;
	s5 =	simm.s32 $0xFFFFFFFF;
	p2 =	slt.u32 s8, $0xFFFFF086  }
0x1c: {  	p1 =	slt.u32 s9, $0xF7A;
	s5 =	simm.s32 @!p2 $0x0  }
0x1d: {  	s5 =	simm.s32 @p1 $0x1;
	p0 =	seq.s32 s7, s2  }
0x1e: {  	s7 =	smul.u32 @!p0 $0xF7A, s2;
	p2 =	seq.s32 @!p0 s5, $0x0  }
0x1f: {  	s9 =	smul.u32 $0xF7A, s1;
	s8 =	simm.s32 @!p0 $0x1BF5;
	p2 =	por !p2, p0  }
0x20: {  	[sflag:s8] =	ssyncset.s32 @!p0 $0xFFFFF086;
	s6 =	sadd.s32 @!p0 s3, s7;
	s7 =	simm.s32 @!p0 $0x108  }
0x21: {  	s3 =	sadd.s32 s3, s9;
	s6 =	sadd.s32 @!p0 $0x88, s6;
	s7 =	simm.s32 @p2 $0x1082  }
0x22: {  	[simem:s7], [sflag:s8] =	dma.local @!p0 [hbm:s6], $0xF7A  }
0x23: {  	s9 =	sor.u32 $0xD0000000, s2;
	s6 =	simm.s32 $0x108;
	_ =	swait.ge @!p0 [sflag:s8], $0x0  }
0x24: {  	s3 =	sadd.s32 $0x88, s3;
	s6 =	simm.s32 @!p1 $0x1082;
	[sflag:s4] =	ssyncset.s32 $0xFFFFF086  }
0x25: {  	[simem:s6], [sflag:s4] =	dma.local [hbm:s3], $0xF7A  }
0x26: {  	[smem:$0x3F95] =	sst s1;
	(tag) =	ssettag s2;
	_ =	strace s9  }
0x27: {  	s1 =	sld [smem:$0x3FA5]  }
0x28: {  	s2 =	sld [smem:$0x3FA6]  }
0x29: {  	s4 =	sld [smem:$0x3FA8]  }
0x2a: {  	p0 =	seq.s32 s5, $0x0;
	s5 =	sld [smem:$0x3FA9]  }
0x2b: {  	s6 =	sld [smem:$0x3FAA]  }
0x2c: {  	s7 =	sld [smem:$0x3FAB]  }
0x2d: {  	s3 =	simm.s32 $0x108;
	s8 =	sld [smem:$0x3FAC]  }
0x2e: {  	s3 =	simm.s32 @!p0 $0x1082;
	s9 =	sld [smem:$0x3FAD]  }
0x2f: {  	lr =	sadd.s32 s0, s3;
	s0 =	sld [smem:$0x3FA4]  }
0x30: {  	s3 =	sld [smem:$0x3FA7]  }
0x31: {  	[smem:$0x3FB0] =	sst s10  }
0x32: {  	s10 =	sld [smem:$0x3FAE];
	_ =	sdelay $0x3  }
0x33: {  	p0 =	seq.s32 s10, $0x1;
	s10 =	sld [smem:$0x3FB0];
	_ =	sdelay $0x3  }
0x34: {  	[smem:$0x3FB0] =	sst s10  }
0x35: {  	s10 =	sld [smem:$0x3FAF];
	_ =	sdelay $0x3  }
0x36: {  	p1 =	seq.s32 s10, $0x1;
	s10 =	sld [smem:$0x3FB0];
	_ =	sdelay $0x3  }
0x37: {  	[smem:$0x3FB0] =	sst s10  }
0x38: {  	s10 =	sld [smem:$0x3FB1]  }
0x39: {  	_ = 	snop;
	(pc) =	sbr.ind lr, $3  }
0x3a: {  	_ = 	snop  }
0x3b: {  	_ = 	snop  }
0x3c: {  	p2 =	seq.s32 s10, $0x1;
	s10 =	sld [smem:$0x3FB0]  }
0x3d: {  	_ =	shalt  }
0x3e: {  	_ =	shalt  }
0x3f: {  	_ =	shalt  }
0x40: {  	_ =	shalt  }
0x41: {  	_ =	shalt  }
0x42: {  	_ =	shalt  }
0x43: {  	_ =	shalt  }
0x44: {  	_ =	shalt  }
0x45: {  	_ =	shalt  }
0x46: {  	_ =	shalt  }
0x47: {  	_ =	shalt  }
0x48: {  	_ =	shalt  }
0x49: {  	_ =	shalt  }
0x4a: {  	_ =	shalt  }
0x4b: {  	_ =	shalt  }
0x4c: {  	_ =	shalt  }
0x4d: {  	_ =	shalt  }
0x4e: {  	_ =	shalt  }
0x4f: {  	_ =	shalt  }
0x50: {  	_ =	shalt  }
0x51: {  	_ =	shalt  }
0x52: {  	_ =	shalt  }
0x53: {  	_ =	shalt  }
0x54: {  	_ =	shalt  }
0x55: {  	_ =	shalt  }
0x56: {  	_ =	shalt  }
0x57: {  	_ =	shalt  }
0x58: {  	_ =	shalt  }
0x59: {  	_ =	shalt  }
0x5a: {  	_ =	shalt  }
0x5b: {  	_ =	shalt  }
0x5c: {  	_ =	shalt  }
0x5d: {  	_ =	shalt  }
0x5e: {  	_ =	shalt  }
0x5f: {  	_ =	shalt  }
0x60: {  	_ =	shalt  }
0x61: {  	_ =	shalt  }
0x62: {  	_ =	shalt  }
0x63: {  	_ =	shalt  }
0x64: {  	_ =	shalt  }
0x65: {  	_ =	shalt  }
0x66: {  	_ =	shalt  }
0x67: {  	_ =	shalt  }
0x68: {  	_ =	shalt  }
0x69: {  	_ =	shalt  }
0x6a: {  	_ =	shalt  }
0x6b: {  	_ =	shalt  }
0x6c: {  	_ =	shalt  }
0x6d: {  	_ =	shalt  }
0x6e: {  	_ =	shalt  }
0x6f: {  	_ =	shalt  }
0x70: {  	_ =	shalt  }
0x71: {  	_ =	shalt  }
0x72: {  	_ =	shalt  }
0x73: {  	_ =	shalt  }
0x74: {  	_ =	shalt  }
0x75: {  	_ =	shalt  }
0x76: {  	_ =	shalt  }
0x77: {  	_ =	shalt  }
0x78: {  	_ =	shalt  }
0x79: {  	_ =	shalt  }
0x7a: {  	_ =	shalt  }
0x7b: {  	_ =	shalt  }
0x7c: {  	_ =	shalt  }
0x7d: {  	_ =	shalt  }
0x7e: {  	_ =	shalt  }
0x7f: {  	_ =	shalt  }
0x80: {  	_ =	shalt  }
0x81: {  	_ =	shalt  }
0x82: {  	_ =	shalt  }
0x83: {  	_ =	shalt  }
0x84: {  	_ =	shalt  }
0x85: {  	_ =	shalt  }
0x86: {  	_ =	shalt  }
0x87: {  	_ =	shalt  }
.Lfunc_end0:
.L_simem_size_0:
called_computation_lowered:
.L_overlay_start_0:
0x88: {  	s2 =	sld [smem:$0x3FD9]  }
0x89: {  	s3 =	sld [smem:$0x3FFE];
	_ =	sdelay $0x1  }
0x8a: {  	s1 =	srdreg.scid  }
0x8b: {  	s0 =	sand.u32 $0x1, s1  }
0x8c: {  	s17 =	sshll.u32 s0, $0xA;
	s2 =	sadd.s32 s3, s2  }
0x8d: {  	s2 =	sadd.s32 s2, s17  }
0x8e: {  	[smem:$0x3FBC] =	sst s2  }
0x8f: {  	_ = 	snop  }
0x90: {  	s2 =	sld [smem:$0x3FD0];
	(tm) =	ssettm $0x1  }
0x91: {  	s18 =	sld [smem:$0x3FFB];
	_ =	sdelay $0x3  }
0x92: {  	_ =	strace s18  }
0x93: {  	s3 =	sld [smem:$0x3FFC];
	_ =	sdelay $0x3  }
0x94: {  	_ =	strace s3  }
0x95: {  	s3 =	sld [smem:$0x3FFD];
	_ =	sdelay $0x3  }
0x96: {  	_ =	strace s3  }
0x97: {  	_ =	strace $0x8FFFFFFF  }
0x98: {  	s19 =	sld [smem:$0x3FDB];
	_ =	sdelay $0x1  }
0x99: {  	s4 =	simm.s32 $_scs_section_size  }
0x9a: {  	s5 =	simm.s32 $_size__tile_overlayer_lowered;
	s6 =	simm.s32 $_tile_overlayer_lowered  }
0x9b: {  	s22 =	simm.s32 $0x1BFF;
	s21 =	sshll.u32 s6, $0x1;
	s3 =	sadd.s32 s4, s19  }
0x9c: {  	s7 =	simm.s32 $0x0;
	s20 =	sshll.u32 s5, $0x1;
	s5 =	sadd.s32 s21, s3  }
0x9d: {  	[timem:s7], [sflag:s22] =	dma.local [hbm:s5], s20  }
0x9e: {  	_ =	swait.ge [sflag:s22], s20  }
0x9f: {  	s4 =	ssub.s32 $0x0, s20;
	[sflag:s22] =	ssyncset.done $0x0  }
0xa0: {  	[sflag:s22] =	ssyncadd.s32 s4;
	_ =	sdelay $0x1  }
0xa1: {  	s23 =	simm.s32 $0x1B8B  }
0xa2: {  	_ =	swait.ge [sflag:s23], $0x1  }
0xa3: {  	[sflag:s23] =	ssyncset.done $0x0  }
0xa4: {  	s25 =	simm.s32 $0x1B8E;
	s24 =	sld [smem:$0x3FFE];
	[sflag:s23] =	ssyncadd.s32 $0xFFFFFFFF  }
0xa5: {  	s26 =	simm.s32 $execute0_lowered;
	[smem:$0x3FD2] =	sst s25  }
0xa6: {  	s5 =	sshll.u32 s26, $0x1;
	_ =	strace $0x80000046;
	[dreg:$0x1] =	wrdreg $0xFFFFFFFF  }
0xa7: {  	s28 =	simm.s32 $_size_execute0_lowered;
	s3 =	sadd.s32 s3, s5;
	[dreg:$0x0] =	wrdreg $0x0  }
0xa8: {  	s5 =	sshll.u32 s28, $0x1;
	[dreg:$0x2] =	wrdreg s3  }
0xa9: {  	[dreg:$0x3] =	wrdreg s5  }
0xaa: {  	[dreg:$0x4] =	wrdreg $0xC0  }
0xab: {  	_ =	task [dreg:s7], $0x5FFFF  }
0xac: {  	[dreg:$0x1] =	wrdreg $0xFFFFFFFF  }
0xad: {  	[dreg:$0x0] =	wrdreg $0x60  }
0xae: {  	[dreg:$0x2] =	wrdreg s24  }
0xaf: {  	[dreg:$0x3] =	wrdreg s2  }
0xb0: {  	[dreg:$0x4] =	wrdreg $0x9  }
0xb1: {  	_ =	task.clear_ibuf [dreg:s7], $0x5FFFF;
	_ =	strace $0x90000046  }
0xb2: {  	s29 =	simm.s32 $0x9;
	_ =	strace $0x80000048  }
0xb3: {  	_ =	swait.ge [sflag:s29], $0x1  }
0xb4: {  	[sflag:s29] =	ssyncadd.s32 $0xFFFFFFFF  }
0xb5: {  	_ =	strace $0x90000048  }
0xb6: {  	_ =	sfence  }
0xb7: {  	s30 =	sld [smem:$0x0];
	_ =	sdelay $0x2  }
0xb8: {  	s31 =	sshll.u32 s1, $0xD;
	s1 =	sshrl.u32 s1, $0x2  }
0xb9: {  	s3 =	sand.u32 $0x4000, s31;
	s1 =	sadd.s32 s1, s30  }
0xba: {  	s0 =	sor.u32 s3, s0;
	s1 =	sshll.u32 s1, $0x11  }
0xbb: {  	s0 =	sor.u32 s1, s0  }
0xbc: {  	s0 =	sadd.s32 $0x8F2B, s0  }
0xbd: {  	[sflag:s0] =	ssyncadd.remote.s32 $0x1  }
0xbe: {  	_ =	sfence.sel $0xFFFF  }
0xbf: {  	[dreg:$0x0] =	wrdreg $0xFFFFFFFF;
	(pc) =	sbr.abs _section_cstart, $3  }
0xc0: {  	[dreg:$0x1] =	wrdreg $0xFFFFFFFF  }
0xc1: {  	_ =	task.clear_ibuf [dreg:s7], $0x2FFFF;
	_ =	strace $0x9FFFFFFF  }
0xc2: {  	(tm) =	ssettm $0x7FFFFFFF  }
0xc3: {  	_ =	shalt  }
tec
execute0_lowered:
.L_overlay_start_1:
0x0: {  	(tag) =	ssettag $0x1  }
0x1: {  	s1 =	srdreg.scid;
	s0 =	stileid.u32  }
0x2: {  	s30 =	sand.u32 $0x1, s1;
	s25 =	sshll.u32 s0, $0x1  }
0x3: {  	s1 =	sor.u32 s30, s25  }
0x4: {  	s31 =	smul.u32 $0xC00, s1  }
0x5: {  	s7 =	rddreg [dreg:$0x0]  }
0x6: {  	s29 =	rddreg [dreg:$0x1];
	s2 =	simm.s32 $0x0;
	s3 =	sshrl.u32 s31, $0x3  }
0x7: {  	[smem:$0x7FF] =	sst s2;
	s3 =	sadd.s32 s29, s3  }
0x8: {  	_ =	strace $0x80000047;
	[dreg:$0x3] =	wrdreg s3  }
0x9: {  	s3 =	simm.s32 $0x2;
	s4 =	rddreg [dreg:$0x3]  }
0xa: {  	[tilespmem:s2], [sflag:$0x2] =	stream.linear.gather [hbm4b:s4+s2], $0x100, $0x38;
	[tilespmem:$0x8100] =	vst v63  }
0xb: {  	_ =	swait.ge [sflag:s3], $0x100  }
0xc: {  	s5 =	simm.s32 $0x100;
	[sflag:s3] =	ssyncset.done $0x0  }
0xd: {  	s6 =	simm.s32 $0x1;
	s4 =	sadd.s32 $0x2600, s7;
	[sflag:s3] =	ssyncadd.s32 $0xFFFFFF00  }
0xe: {  	[tilespmem:s5], [sflag:$0x1] =	stream.indirect.gather [hbm4b:s4+s5], $0x80, s2, s5, $0xb8;
	[tilespmem:$0x8100] =	vst v63  }
0xf: {  	s8 =	smul.u32 $0xC000, s1;
	_ =	swait.ge [sflag:s6], $0x8000  }
0x10: {  	s1 =	sadd.s32 $0x122600, s7;
	[sflag:s6] =	ssyncset.done $0x0  }
0x11: {  	s7 =	sadd.s32 s1, s8;
	[sflag:s6] =	ssyncadd.s32 $0xFFFF8000  }
0x12: {  	[hbm4b:s7+s2] =	stream.linear.scatter [tilespmem:s5], [sflag:$0x2], $0x8000, $0x38;
	[tilespmem:$0x8100] =	vst v63  }
0x13: {  	s9 =	sor.u32 $0x100, s31;
	_ =	swait.ge [sflag:s3], $0x8000  }
0x14: {  	s26 =	sshrl.u32 s9, $0x3;
	[sflag:s3] =	ssyncset.done $0x0  }
0x15: {  	s8 =	sadd.s32 s29, s26;
	[sflag:s3] =	ssyncadd.s32 $0xFFFF8000  }
0x16: {  	[tilespmem:s2], [sflag:$0x2] =	stream.linear.gather [hbm4b:s8+s2], $0x100, $0x38;
	[tilespmem:$0x8100] =	vst v63  }
0x17: {  	_ =	swait.ge [sflag:s3], $0x100  }
0x18: {  	[sflag:s3] =	ssyncset.done $0x0  }
0x19: {  	[sflag:s3] =	ssyncadd.s32 $0xFFFFFF00  }
0x1a: {  	[tilespmem:s5], [sflag:$0x1] =	stream.indirect.gather [hbm4b:s4+s5], $0x80, s2, s5, $0xb8;
	[tilespmem:$0x8100] =	vst v63  }
0x1b: {  	_ =	swait.ge [sflag:s6], $0x8000  }
0x1c: {  	s9 =	sshll.u32 s9, $0x4;
	[sflag:s6] =	ssyncset.done $0x0  }
0x1d: {  	s9 =	sadd.s32 s1, s9;
	[sflag:s6] =	ssyncadd.s32 $0xFFFF8000  }
0x1e: {  	[hbm4b:s9+s2] =	stream.linear.scatter [tilespmem:s5], [sflag:$0x2], $0x8000, $0x38;
	[tilespmem:$0x8100] =	vst v63  }
0x1f: {  	s11 =	sor.u32 $0x200, s31;
	_ =	swait.ge [sflag:s3], $0x8000  }
0x20: {  	s10 =	sshrl.u32 s11, $0x3;
	[sflag:s3] =	ssyncset.done $0x0  }
0x21: {  	s10 =	sadd.s32 s29, s10;
	[sflag:s3] =	ssyncadd.s32 $0xFFFF8000  }
0x22: {  	[tilespmem:s2], [sflag:$0x2] =	stream.linear.gather [hbm4b:s10+s2], $0x100, $0x38;
	[tilespmem:$0x8100] =	vst v63  }
0x23: {  	_ =	swait.ge [sflag:s3], $0x100  }
0x24: {  	[sflag:s3] =	ssyncset.done $0x0  }
0x25: {  	[sflag:s3] =	ssyncadd.s32 $0xFFFFFF00  }
0x26: {  	[tilespmem:s5], [sflag:$0x1] =	stream.indirect.gather [hbm4b:s4+s5], $0x80, s2, s5, $0xb8;
	[tilespmem:$0x8100] =	vst v63  }
0x27: {  	_ =	swait.ge [sflag:s6], $0x8000  }
0x28: {  	s11 =	sshll.u32 s11, $0x4;
	[sflag:s6] =	ssyncset.done $0x0  }
0x29: {  	s11 =	sadd.s32 s1, s11;
	[sflag:s6] =	ssyncadd.s32 $0xFFFF8000  }
0x2a: {  	[hbm4b:s11+s2] =	stream.linear.scatter [tilespmem:s5], [sflag:$0x2], $0x8000, $0x38;
	[tilespmem:$0x8100] =	vst v63  }
0x2b: {  	s13 =	sor.u32 $0x300, s31;
	_ =	swait.ge [sflag:s3], $0x8000  }
0x2c: {  	s12 =	sshrl.u32 s13, $0x3;
	[sflag:s3] =	ssyncset.done $0x0  }
0x2d: {  	s12 =	sadd.s32 s29, s12;
	[sflag:s3] =	ssyncadd.s32 $0xFFFF8000  }
0x2e: {  	[tilespmem:s2], [sflag:$0x2] =	stream.linear.gather [hbm4b:s12+s2], $0x100, $0x38;
	[tilespmem:$0x8100] =	vst v63  }
0x2f: {  	_ =	swait.ge [sflag:s3], $0x100  }
0x30: {  	[sflag:s3] =	ssyncset.done $0x0  }
0x31: {  	[sflag:s3] =	ssyncadd.s32 $0xFFFFFF00  }
0x32: {  	[tilespmem:s5], [sflag:$0x1] =	stream.indirect.gather [hbm4b:s4+s5], $0x80, s2, s5, $0xb8;
	[tilespmem:$0x8100] =	vst v63  }
0x33: {  	_ =	swait.ge [sflag:s6], $0x8000  }
0x34: {  	s13 =	sshll.u32 s13, $0x4;
	[sflag:s6] =	ssyncset.done $0x0  }
0x35: {  	s13 =	sadd.s32 s1, s13;
	[sflag:s6] =	ssyncadd.s32 $0xFFFF8000  }
0x36: {  	[hbm4b:s13+s2] =	stream.linear.scatter [tilespmem:s5], [sflag:$0x2], $0x8000, $0x38;
	[tilespmem:$0x8100] =	vst v63  }
0x37: {  	s15 =	sadd.s32 $0x400, s31;
	_ =	swait.ge [sflag:s3], $0x8000  }
0x38: {  	s14 =	sshrl.u32 s15, $0x3;
	[sflag:s3] =	ssyncset.done $0x0  }
0x39: {  	s14 =	sadd.s32 s29, s14;
	[sflag:s3] =	ssyncadd.s32 $0xFFFF8000  }
0x3a: {  	[tilespmem:s2], [sflag:$0x2] =	stream.linear.gather [hbm4b:s14+s2], $0x100, $0x38;
	[tilespmem:$0x8100] =	vst v63  }
0x3b: {  	_ =	swait.ge [sflag:s3], $0x100  }
0x3c: {  	[sflag:s3] =	ssyncset.done $0x0  }
0x3d: {  	[sflag:s3] =	ssyncadd.s32 $0xFFFFFF00  }
0x3e: {  	[tilespmem:s5], [sflag:$0x1] =	stream.indirect.gather [hbm4b:s4+s5], $0x80, s2, s5, $0xb8;
	[tilespmem:$0x8100] =	vst v63  }
0x3f: {  	_ =	swait.ge [sflag:s6], $0x8000  }
0x40: {  	s15 =	sshll.u32 s15, $0x4;
	[sflag:s6] =	ssyncset.done $0x0  }
0x41: {  	s15 =	sadd.s32 s1, s15;
	[sflag:s6] =	ssyncadd.s32 $0xFFFF8000  }
0x42: {  	[hbm4b:s15+s2] =	stream.linear.scatter [tilespmem:s5], [sflag:$0x2], $0x8000, $0x38;
	[tilespmem:$0x8100] =	vst v63  }
0x43: {  	s17 =	sadd.s32 $0x500, s31;
	_ =	swait.ge [sflag:s3], $0x8000  }
0x44: {  	s16 =	sshrl.u32 s17, $0x3;
	[sflag:s3] =	ssyncset.done $0x0  }
0x45: {  	s16 =	sadd.s32 s29, s16;
	[sflag:s3] =	ssyncadd.s32 $0xFFFF8000  }
0x46: {  	[tilespmem:s2], [sflag:$0x2] =	stream.linear.gather [hbm4b:s16+s2], $0x100, $0x38;
	[tilespmem:$0x8100] =	vst v63  }
0x47: {  	_ =	swait.ge [sflag:s3], $0x100  }
0x48: {  	[sflag:s3] =	ssyncset.done $0x0  }
0x49: {  	[sflag:s3] =	ssyncadd.s32 $0xFFFFFF00  }
0x4a: {  	[tilespmem:s5], [sflag:$0x1] =	stream.indirect.gather [hbm4b:s4+s5], $0x80, s2, s5, $0xb8;
	[tilespmem:$0x8100] =	vst v63  }
0x4b: {  	_ =	swait.ge [sflag:s6], $0x8000  }
0x4c: {  	s17 =	sshll.u32 s17, $0x4;
	[sflag:s6] =	ssyncset.done $0x0  }
0x4d: {  	s17 =	sadd.s32 s1, s17;
	[sflag:s6] =	ssyncadd.s32 $0xFFFF8000  }
0x4e: {  	[hbm4b:s17+s2] =	stream.linear.scatter [tilespmem:s5], [sflag:$0x2], $0x8000, $0x38;
	[tilespmem:$0x8100] =	vst v63  }
0x4f: {  	s19 =	sadd.s32 $0x600, s31;
	_ =	swait.ge [sflag:s3], $0x8000  }
0x50: {  	s18 =	sshrl.u32 s19, $0x3;
	[sflag:s3] =	ssyncset.done $0x0  }
0x51: {  	s18 =	sadd.s32 s29, s18;
	[sflag:s3] =	ssyncadd.s32 $0xFFFF8000  }
0x52: {  	[tilespmem:s2], [sflag:$0x2] =	stream.linear.gather [hbm4b:s18+s2], $0x100, $0x38;
	[tilespmem:$0x8100] =	vst v63  }
0x53: {  	_ =	swait.ge [sflag:s3], $0x100  }
0x54: {  	[sflag:s3] =	ssyncset.done $0x0  }
0x55: {  	[sflag:s3] =	ssyncadd.s32 $0xFFFFFF00  }
0x56: {  	[tilespmem:s5], [sflag:$0x1] =	stream.indirect.gather [hbm4b:s4+s5], $0x80, s2, s5, $0xb8;
	[tilespmem:$0x8100] =	vst v63  }
0x57: {  	_ =	swait.ge [sflag:s6], $0x8000  }
0x58: {  	s19 =	sshll.u32 s19, $0x4;
	[sflag:s6] =	ssyncset.done $0x0  }
0x59: {  	s19 =	sadd.s32 s1, s19;
	[sflag:s6] =	ssyncadd.s32 $0xFFFF8000  }
0x5a: {  	[hbm4b:s19+s2] =	stream.linear.scatter [tilespmem:s5], [sflag:$0x2], $0x8000, $0x38;
	[tilespmem:$0x8100] =	vst v63  }
0x5b: {  	s21 =	sadd.s32 $0x700, s31;
	_ =	swait.ge [sflag:s3], $0x8000  }
0x5c: {  	s20 =	sshrl.u32 s21, $0x3;
	[sflag:s3] =	ssyncset.done $0x0  }
0x5d: {  	s20 =	sadd.s32 s29, s20;
	[sflag:s3] =	ssyncadd.s32 $0xFFFF8000  }
0x5e: {  	[tilespmem:s2], [sflag:$0x2] =	stream.linear.gather [hbm4b:s20+s2], $0x100, $0x38;
	[tilespmem:$0x8100] =	vst v63  }
0x5f: {  	_ =	swait.ge [sflag:s3], $0x100  }
0x60: {  	[sflag:s3] =	ssyncset.done $0x0  }
0x61: {  	[sflag:s3] =	ssyncadd.s32 $0xFFFFFF00  }
0x62: {  	[tilespmem:s5], [sflag:$0x1] =	stream.indirect.gather [hbm4b:s4+s5], $0x80, s2, s5, $0xb8;
	[tilespmem:$0x8100] =	vst v63  }
0x63: {  	_ =	swait.ge [sflag:s6], $0x8000  }
0x64: {  	s21 =	sshll.u32 s21, $0x4;
	[sflag:s6] =	ssyncset.done $0x0  }
0x65: {  	s21 =	sadd.s32 s1, s21;
	[sflag:s6] =	ssyncadd.s32 $0xFFFF8000  }
0x66: {  	[hbm4b:s21+s2] =	stream.linear.scatter [tilespmem:s5], [sflag:$0x2], $0x8000, $0x38;
	[tilespmem:$0x8100] =	vst v63  }
0x67: {  	s23 =	sadd.s32 $0x800, s31;
	_ =	swait.ge [sflag:s3], $0x8000  }
0x68: {  	s22 =	sshrl.u32 s23, $0x3;
	[sflag:s3] =	ssyncset.done $0x0  }
0x69: {  	s22 =	sadd.s32 s29, s22;
	[sflag:s3] =	ssyncadd.s32 $0xFFFF8000  }
0x6a: {  	[tilespmem:s2], [sflag:$0x2] =	stream.linear.gather [hbm4b:s22+s2], $0x100, $0x38;
	[tilespmem:$0x8100] =	vst v63  }
0x6b: {  	_ =	swait.ge [sflag:s3], $0x100  }
0x6c: {  	[sflag:s3] =	ssyncset.done $0x0  }
0x6d: {  	[sflag:s3] =	ssyncadd.s32 $0xFFFFFF00  }
0x6e: {  	[tilespmem:s5], [sflag:$0x1] =	stream.indirect.gather [hbm4b:s4+s5], $0x80, s2, s5, $0xb8;
	[tilespmem:$0x8100] =	vst v63  }
0x6f: {  	_ =	swait.ge [sflag:s6], $0x8000  }
0x70: {  	s23 =	sshll.u32 s23, $0x4;
	[sflag:s6] =	ssyncset.done $0x0  }
0x71: {  	s23 =	sadd.s32 s1, s23;
	[sflag:s6] =	ssyncadd.s32 $0xFFFF8000  }
0x72: {  	[hbm4b:s23+s2] =	stream.linear.scatter [tilespmem:s5], [sflag:$0x2], $0x8000, $0x38;
	[tilespmem:$0x8100] =	vst v63  }
0x73: {  	s25 =	sadd.s32 $0x900, s31;
	_ =	swait.ge [sflag:s3], $0x8000  }
0x74: {  	s24 =	sshrl.u32 s25, $0x3;
	[sflag:s3] =	ssyncset.done $0x0  }
0x75: {  	s24 =	sadd.s32 s29, s24;
	[sflag:s3] =	ssyncadd.s32 $0xFFFF8000  }
0x76: {  	[tilespmem:s2], [sflag:$0x2] =	stream.linear.gather [hbm4b:s24+s2], $0x100, $0x38;
	[tilespmem:$0x8100] =	vst v63  }
0x77: {  	_ =	swait.ge [sflag:s3], $0x100  }
0x78: {  	[sflag:s3] =	ssyncset.done $0x0  }
0x79: {  	[sflag:s3] =	ssyncadd.s32 $0xFFFFFF00  }
0x7a: {  	[tilespmem:s5], [sflag:$0x1] =	stream.indirect.gather [hbm4b:s4+s5], $0x80, s2, s5, $0xb8;
	[tilespmem:$0x8100] =	vst v63  }
0x7b: {  	_ =	swait.ge [sflag:s6], $0x8000  }
0x7c: {  	s25 =	sshll.u32 s25, $0x4;
	[sflag:s6] =	ssyncset.done $0x0  }
0x7d: {  	s25 =	sadd.s32 s1, s25;
	[sflag:s6] =	ssyncadd.s32 $0xFFFF8000  }
0x7e: {  	[hbm4b:s25+s2] =	stream.linear.scatter [tilespmem:s5], [sflag:$0x2], $0x8000, $0x38;
	[tilespmem:$0x8100] =	vst v63  }
0x7f: {  	s28 =	sadd.s32 $0xA00, s31;
	_ =	swait.ge [sflag:s3], $0x8000  }
0x80: {  	s26 =	sshrl.u32 s28, $0x3;
	[sflag:s3] =	ssyncset.done $0x0  }
0x81: {  	s26 =	sadd.s32 s29, s26;
	[sflag:s3] =	ssyncadd.s32 $0xFFFF8000  }
0x82: {  	[tilespmem:s2], [sflag:$0x2] =	stream.linear.gather [hbm4b:s26+s2], $0x100, $0x38;
	[tilespmem:$0x8100] =	vst v63  }
0x83: {  	_ =	swait.ge [sflag:s3], $0x100  }
0x84: {  	[sflag:s3] =	ssyncset.done $0x0  }
0x85: {  	[sflag:s3] =	ssyncadd.s32 $0xFFFFFF00  }
0x86: {  	[tilespmem:s5], [sflag:$0x1] =	stream.indirect.gather [hbm4b:s4+s5], $0x80, s2, s5, $0xb8;
	[tilespmem:$0x8100] =	vst v63  }
0x87: {  	_ =	swait.ge [sflag:s6], $0x8000  }
0x88: {  	s28 =	sshll.u32 s28, $0x4;
	[sflag:s6] =	ssyncset.done $0x0  }
0x89: {  	s31 =	sadd.s32 $0xB00, s31;
	s28 =	sadd.s32 s1, s28;
	[sflag:s6] =	ssyncadd.s32 $0xFFFF8000  }
0x8a: {  	[hbm4b:s28+s2] =	stream.linear.scatter [tilespmem:s5], [sflag:$0x2], $0x8000, $0x38;
	[tilespmem:$0x8100] =	vst v63  }
0x8b: {  	s0 =	sshrl.u32 s31, $0x3;
	_ =	swait.ge [sflag:s3], $0x8000  }
0x8c: {  	s29 =	sadd.s32 s29, s0;
	s0 =	ssub.s32 $0x2, s30;
	[sflag:s3] =	ssyncset.done $0x0  }
0x8d: {  	s30 =	sshrl.u32 s0, $0x1;
	[sflag:s3] =	ssyncadd.s32 $0xFFFF8000  }
0x8e: {  	[tilespmem:s2], [sflag:$0x2] =	stream.linear.gather [hbm4b:s29+s2], $0x100, $0x38;
	[tilespmem:$0x8100] =	vst v63  }
0x8f: {  	s0 =	ssub.s32 s0, s30;
	_ =	swait.ge [sflag:s3], $0x100  }
0x90: {  	s0 =	smax.u32 s0, $0x1;
	[sflag:s3] =	ssyncset.done $0x0  }
0x91: {  	p0 =	sne.s32 s0, $0x1;
	[sflag:s3] =	ssyncadd.s32 $0xFFFFFF00  }
0x92: {  	[tilespmem:s5], [sflag:$0x1] =	stream.indirect.gather [hbm4b:s4+s5], $0x80, s2, s5, $0xb8;
	[tilespmem:$0x8100] =	vst v63  }
.Ltmp0:
0x93: {  	_ =	swait.ge [sflag:s6], $0x8000;
	(pc) =	sbr.rel @!p0 .LBB2_2-.Ltmp0, $4  }
0x94: {  	s30 =	sshll.u32 s31, $0x4;
	[sflag:s6] =	ssyncset.done $0x0  }
0x95: {  	s30 =	sadd.s32 s1, s30;
	[sflag:s6] =	ssyncadd.s32 $0xFFFF8000  }
0x96: {  	[hbm4b:s30+s2] =	stream.linear.scatter [tilespmem:s5], [sflag:$0x2], $0x8000, $0x38;
	[tilespmem:$0x8100] =	vst v63  }
0x97: {  	s31 =	sadd.s32 $0xFFFFFFFF, s0;
	_ =	swait.ge [sflag:s3], $0x8000  }
.LBB2_1:
0x98: {  	[sflag:s3] =	ssyncset.done $0x0  }
0x99: {  	s0 =	rddreg [dreg:$0x3];
	[sflag:s3] =	ssyncadd.s32 $0xFFFF8000  }
0x9a: {  	[tilespmem:s2], [sflag:$0x2] =	stream.linear.gather [hbm4b:s0+s2], $0x100, $0x38;
	[tilespmem:$0x8100] =	vst v63  }
0x9b: {  	_ =	swait.ge [sflag:s3], $0x100  }
0x9c: {  	[sflag:s3] =	ssyncset.done $0x0  }
0x9d: {  	[sflag:s3] =	ssyncadd.s32 $0xFFFFFF00  }
0x9e: {  	[tilespmem:s5], [sflag:$0x1] =	stream.indirect.gather [hbm4b:s4+s5], $0x80, s2, s5, $0xb8;
	[tilespmem:$0x8100] =	vst v63  }
0x9f: {  	_ =	swait.ge [sflag:s6], $0x8000  }
0xa0: {  	[sflag:s6] =	ssyncset.done $0x0  }
0xa1: {  	[sflag:s6] =	ssyncadd.s32 $0xFFFF8000  }
0xa2: {  	[hbm4b:s7+s2] =	stream.linear.scatter [tilespmem:s5], [sflag:$0x2], $0x8000, $0x38;
	[tilespmem:$0x8100] =	vst v63  }
0xa3: {  	_ =	swait.ge [sflag:s3], $0x8000  }
0xa4: {  	[sflag:s3] =	ssyncset.done $0x0  }
0xa5: {  	[sflag:s3] =	ssyncadd.s32 $0xFFFF8000  }
0xa6: {  	[tilespmem:s2], [sflag:$0x2] =	stream.linear.gather [hbm4b:s8+s2], $0x100, $0x38;
	[tilespmem:$0x8100] =	vst v63  }
0xa7: {  	_ =	swait.ge [sflag:s3], $0x100  }
0xa8: {  	[sflag:s3] =	ssyncset.done $0x0  }
0xa9: {  	[sflag:s3] =	ssyncadd.s32 $0xFFFFFF00  }
0xaa: {  	[tilespmem:s5], [sflag:$0x1] =	stream.indirect.gather [hbm4b:s4+s5], $0x80, s2, s5, $0xb8;
	[tilespmem:$0x8100] =	vst v63  }
0xab: {  	_ =	swait.ge [sflag:s6], $0x8000  }
0xac: {  	[sflag:s6] =	ssyncset.done $0x0  }
0xad: {  	[sflag:s6] =	ssyncadd.s32 $0xFFFF8000  }
0xae: {  	[hbm4b:s9+s2] =	stream.linear.scatter [tilespmem:s5], [sflag:$0x2], $0x8000, $0x38;
	[tilespmem:$0x8100] =	vst v63  }
0xaf: {  	_ =	swait.ge [sflag:s3], $0x8000  }
0xb0: {  	[sflag:s3] =	ssyncset.done $0x0  }
0xb1: {  	[sflag:s3] =	ssyncadd.s32 $0xFFFF8000  }
0xb2: {  	[tilespmem:s2], [sflag:$0x2] =	stream.linear.gather [hbm4b:s10+s2], $0x100, $0x38;
	[tilespmem:$0x8100] =	vst v63  }
0xb3: {  	_ =	swait.ge [sflag:s3], $0x100  }
0xb4: {  	[sflag:s3] =	ssyncset.done $0x0  }
0xb5: {  	[sflag:s3] =	ssyncadd.s32 $0xFFFFFF00  }
0xb6: {  	[tilespmem:s5], [sflag:$0x1] =	stream.indirect.gather [hbm4b:s4+s5], $0x80, s2, s5, $0xb8;
	[tilespmem:$0x8100] =	vst v63  }
0xb7: {  	_ =	swait.ge [sflag:s6], $0x8000  }
0xb8: {  	[sflag:s6] =	ssyncset.done $0x0  }
0xb9: {  	[sflag:s6] =	ssyncadd.s32 $0xFFFF8000  }
0xba: {  	[hbm4b:s11+s2] =	stream.linear.scatter [tilespmem:s5], [sflag:$0x2], $0x8000, $0x38;
	[tilespmem:$0x8100] =	vst v63  }
0xbb: {  	_ =	swait.ge [sflag:s3], $0x8000  }
0xbc: {  	[sflag:s3] =	ssyncset.done $0x0  }
0xbd: {  	[sflag:s3] =	ssyncadd.s32 $0xFFFF8000  }
0xbe: {  	[tilespmem:s2], [sflag:$0x2] =	stream.linear.gather [hbm4b:s12+s2], $0x100, $0x38;
	[tilespmem:$0x8100] =	vst v63  }
0xbf: {  	_ =	swait.ge [sflag:s3], $0x100  }
0xc0: {  	[sflag:s3] =	ssyncset.done $0x0  }
0xc1: {  	[sflag:s3] =	ssyncadd.s32 $0xFFFFFF00  }
0xc2: {  	[tilespmem:s5], [sflag:$0x1] =	stream.indirect.gather [hbm4b:s4+s5], $0x80, s2, s5, $0xb8;
	[tilespmem:$0x8100] =	vst v63  }
0xc3: {  	_ =	swait.ge [sflag:s6], $0x8000  }
0xc4: {  	[sflag:s6] =	ssyncset.done $0x0  }
0xc5: {  	[sflag:s6] =	ssyncadd.s32 $0xFFFF8000  }
0xc6: {  	[hbm4b:s13+s2] =	stream.linear.scatter [tilespmem:s5], [sflag:$0x2], $0x8000, $0x38;
	[tilespmem:$0x8100] =	vst v63  }
0xc7: {  	_ =	swait.ge [sflag:s3], $0x8000  }
0xc8: {  	[sflag:s3] =	ssyncset.done $0x0  }
0xc9: {  	[sflag:s3] =	ssyncadd.s32 $0xFFFF8000  }
0xca: {  	[tilespmem:s2], [sflag:$0x2] =	stream.linear.gather [hbm4b:s14+s2], $0x100, $0x38;
	[tilespmem:$0x8100] =	vst v63  }
0xcb: {  	_ =	swait.ge [sflag:s3], $0x100  }
0xcc: {  	[sflag:s3] =	ssyncset.done $0x0  }
0xcd: {  	[sflag:s3] =	ssyncadd.s32 $0xFFFFFF00  }
0xce: {  	[tilespmem:s5], [sflag:$0x1] =	stream.indirect.gather [hbm4b:s4+s5], $0x80, s2, s5, $0xb8;
	[tilespmem:$0x8100] =	vst v63  }
0xcf: {  	_ =	swait.ge [sflag:s6], $0x8000  }
0xd0: {  	[sflag:s6] =	ssyncset.done $0x0  }
0xd1: {  	[sflag:s6] =	ssyncadd.s32 $0xFFFF8000  }
0xd2: {  	[hbm4b:s15+s2] =	stream.linear.scatter [tilespmem:s5], [sflag:$0x2], $0x8000, $0x38;
	[tilespmem:$0x8100] =	vst v63  }
0xd3: {  	_ =	swait.ge [sflag:s3], $0x8000  }
0xd4: {  	[sflag:s3] =	ssyncset.done $0x0  }
0xd5: {  	[sflag:s3] =	ssyncadd.s32 $0xFFFF8000  }
0xd6: {  	[tilespmem:s2], [sflag:$0x2] =	stream.linear.gather [hbm4b:s16+s2], $0x100, $0x38;
	[tilespmem:$0x8100] =	vst v63  }
0xd7: {  	_ =	swait.ge [sflag:s3], $0x100  }
0xd8: {  	[sflag:s3] =	ssyncset.done $0x0  }
0xd9: {  	[sflag:s3] =	ssyncadd.s32 $0xFFFFFF00  }
0xda: {  	[tilespmem:s5], [sflag:$0x1] =	stream.indirect.gather [hbm4b:s4+s5], $0x80, s2, s5, $0xb8;
	[tilespmem:$0x8100] =	vst v63  }
0xdb: {  	_ =	swait.ge [sflag:s6], $0x8000  }
0xdc: {  	[sflag:s6] =	ssyncset.done $0x0  }
0xdd: {  	[sflag:s6] =	ssyncadd.s32 $0xFFFF8000  }
0xde: {  	[hbm4b:s17+s2] =	stream.linear.scatter [tilespmem:s5], [sflag:$0x2], $0x8000, $0x38;
	[tilespmem:$0x8100] =	vst v63  }
0xdf: {  	_ =	swait.ge [sflag:s3], $0x8000  }
0xe0: {  	[sflag:s3] =	ssyncset.done $0x0  }
0xe1: {  	[sflag:s3] =	ssyncadd.s32 $0xFFFF8000  }
0xe2: {  	[tilespmem:s2], [sflag:$0x2] =	stream.linear.gather [hbm4b:s18+s2], $0x100, $0x38;
	[tilespmem:$0x8100] =	vst v63  }
0xe3: {  	_ =	swait.ge [sflag:s3], $0x100  }
0xe4: {  	[sflag:s3] =	ssyncset.done $0x0  }
0xe5: {  	[sflag:s3] =	ssyncadd.s32 $0xFFFFFF00  }
0xe6: {  	[tilespmem:s5], [sflag:$0x1] =	stream.indirect.gather [hbm4b:s4+s5], $0x80, s2, s5, $0xb8;
	[tilespmem:$0x8100] =	vst v63  }
0xe7: {  	_ =	swait.ge [sflag:s6], $0x8000  }
0xe8: {  	[sflag:s6] =	ssyncset.done $0x0  }
0xe9: {  	[sflag:s6] =	ssyncadd.s32 $0xFFFF8000  }
0xea: {  	[hbm4b:s19+s2] =	stream.linear.scatter [tilespmem:s5], [sflag:$0x2], $0x8000, $0x38;
	[tilespmem:$0x8100] =	vst v63  }
0xeb: {  	_ =	swait.ge [sflag:s3], $0x8000  }
0xec: {  	[sflag:s3] =	ssyncset.done $0x0  }
0xed: {  	[sflag:s3] =	ssyncadd.s32 $0xFFFF8000  }
0xee: {  	[tilespmem:s2], [sflag:$0x2] =	stream.linear.gather [hbm4b:s20+s2], $0x100, $0x38;
	[tilespmem:$0x8100] =	vst v63  }
0xef: {  	_ =	swait.ge [sflag:s3], $0x100  }
0xf0: {  	[sflag:s3] =	ssyncset.done $0x0  }
0xf1: {  	[sflag:s3] =	ssyncadd.s32 $0xFFFFFF00  }
0xf2: {  	[tilespmem:s5], [sflag:$0x1] =	stream.indirect.gather [hbm4b:s4+s5], $0x80, s2, s5, $0xb8;
	[tilespmem:$0x8100] =	vst v63  }
0xf3: {  	_ =	swait.ge [sflag:s6], $0x8000  }
0xf4: {  	[sflag:s6] =	ssyncset.done $0x0  }
0xf5: {  	[sflag:s6] =	ssyncadd.s32 $0xFFFF8000  }
0xf6: {  	[hbm4b:s21+s2] =	stream.linear.scatter [tilespmem:s5], [sflag:$0x2], $0x8000, $0x38;
	[tilespmem:$0x8100] =	vst v63  }
0xf7: {  	_ =	swait.ge [sflag:s3], $0x8000  }
0xf8: {  	[sflag:s3] =	ssyncset.done $0x0  }
0xf9: {  	[sflag:s3] =	ssyncadd.s32 $0xFFFF8000  }
0xfa: {  	[tilespmem:s2], [sflag:$0x2] =	stream.linear.gather [hbm4b:s22+s2], $0x100, $0x38;
	[tilespmem:$0x8100] =	vst v63  }
0xfb: {  	_ =	swait.ge [sflag:s3], $0x100  }
0xfc: {  	[sflag:s3] =	ssyncset.done $0x0  }
0xfd: {  	[sflag:s3] =	ssyncadd.s32 $0xFFFFFF00  }
0xfe: {  	[tilespmem:s5], [sflag:$0x1] =	stream.indirect.gather [hbm4b:s4+s5], $0x80, s2, s5, $0xb8;
	[tilespmem:$0x8100] =	vst v63  }
0xff: {  	_ =	swait.ge [sflag:s6], $0x8000  }
0x100: {  	[sflag:s6] =	ssyncset.done $0x0  }
0x101: {  	[sflag:s6] =	ssyncadd.s32 $0xFFFF8000  }
0x102: {  	[hbm4b:s23+s2] =	stream.linear.scatter [tilespmem:s5], [sflag:$0x2], $0x8000, $0x38;
	[tilespmem:$0x8100] =	vst v63  }
0x103: {  	_ =	swait.ge [sflag:s3], $0x8000  }
0x104: {  	[sflag:s3] =	ssyncset.done $0x0  }
0x105: {  	[sflag:s3] =	ssyncadd.s32 $0xFFFF8000  }
0x106: {  	[tilespmem:s2], [sflag:$0x2] =	stream.linear.gather [hbm4b:s24+s2], $0x100, $0x38;
	[tilespmem:$0x8100] =	vst v63  }
0x107: {  	_ =	swait.ge [sflag:s3], $0x100  }
0x108: {  	[sflag:s3] =	ssyncset.done $0x0  }
0x109: {  	[sflag:s3] =	ssyncadd.s32 $0xFFFFFF00  }
0x10a: {  	[tilespmem:s5], [sflag:$0x1] =	stream.indirect.gather [hbm4b:s4+s5], $0x80, s2, s5, $0xb8;
	[tilespmem:$0x8100] =	vst v63  }
0x10b: {  	_ =	swait.ge [sflag:s6], $0x8000  }
0x10c: {  	[sflag:s6] =	ssyncset.done $0x0  }
0x10d: {  	[sflag:s6] =	ssyncadd.s32 $0xFFFF8000  }
0x10e: {  	[hbm4b:s25+s2] =	stream.linear.scatter [tilespmem:s5], [sflag:$0x2], $0x8000, $0x38;
	[tilespmem:$0x8100] =	vst v63  }
0x10f: {  	_ =	swait.ge [sflag:s3], $0x8000  }
0x110: {  	[sflag:s3] =	ssyncset.done $0x0  }
0x111: {  	[sflag:s3] =	ssyncadd.s32 $0xFFFF8000  }
0x112: {  	[tilespmem:s2], [sflag:$0x2] =	stream.linear.gather [hbm4b:s26+s2], $0x100, $0x38;
	[tilespmem:$0x8100] =	vst v63  }
0x113: {  	_ =	swait.ge [sflag:s3], $0x100  }
0x114: {  	[sflag:s3] =	ssyncset.done $0x0  }
0x115: {  	[sflag:s3] =	ssyncadd.s32 $0xFFFFFF00  }
0x116: {  	[tilespmem:s5], [sflag:$0x1] =	stream.indirect.gather [hbm4b:s4+s5], $0x80, s2, s5, $0xb8;
	[tilespmem:$0x8100] =	vst v63  }
0x117: {  	_ =	swait.ge [sflag:s6], $0x8000  }
0x118: {  	[sflag:s6] =	ssyncset.done $0x0  }
0x119: {  	[sflag:s6] =	ssyncadd.s32 $0xFFFF8000  }
0x11a: {  	[hbm4b:s28+s2] =	stream.linear.scatter [tilespmem:s5], [sflag:$0x2], $0x8000, $0x38;
	[tilespmem:$0x8100] =	vst v63  }
0x11b: {  	_ =	swait.ge [sflag:s3], $0x8000  }
0x11c: {  	[sflag:s3] =	ssyncset.done $0x0  }
0x11d: {  	[sflag:s3] =	ssyncadd.s32 $0xFFFF8000  }
0x11e: {  	[tilespmem:s2], [sflag:$0x2] =	stream.linear.gather [hbm4b:s29+s2], $0x100, $0x38;
	[tilespmem:$0x8100] =	vst v63  }
0x11f: {  	_ =	swait.ge [sflag:s3], $0x100  }
0x120: {  	[sflag:s3] =	ssyncset.done $0x0  }
0x121: {  	p0 =	sne.s32 s31, $0x1;
	[sflag:s3] =	ssyncadd.s32 $0xFFFFFF00  }
0x122: {  	[tilespmem:s5], [sflag:$0x1] =	stream.indirect.gather [hbm4b:s4+s5], $0x80, s2, s5, $0xb8;
	[tilespmem:$0x8100] =	vst v63  }
.Ltmp1:
0x123: {  	_ =	swait.ge [sflag:s6], $0x8000;
	(pc) =	sbr.rel @p0 .LBB2_1-.Ltmp1, $4  }
0x124: {  	[sflag:s6] =	ssyncset.done $0x0  }
0x125: {  	[sflag:s6] =	ssyncadd.s32 $0xFFFF8000  }
0x126: {  	[hbm4b:s30+s2] =	stream.linear.scatter [tilespmem:s5], [sflag:$0x2], $0x8000, $0x38;
	[tilespmem:$0x8100] =	vst v63  }
0x127: {  	s31 =	sadd.s32 $0xFFFFFFFF, s31;
	_ =	swait.ge [sflag:s3], $0x8000  }
.LBB2_2:
0x128: {  	[sflag:s3] =	ssyncset.done $0x0  }
0x129: {  	[sflag:s3] =	ssyncadd.s32 $0xFFFF8000  }
0x12a: {  	_ =	sfence.sel $0x180000  }
0x12b: {  	[bflag:$0x0] =	sbarrier.arrive $0xFFFF  }
0x12c: {  	_ =	strace $0x90000047  }
0x12d: {  	s0 =	stileid.u32;
	[bflag:$0x2] =	sbarrier.arrive $0xFFFF  }
0x12e: {  	p0 =	sne.s32 s0, $0x0;
	s0 =	rddreg [dreg:$0x2]  }
0x12f: {  	s0 =	sadd.s32 @!p0 $0x100000, s0  }
0x130: {  	[sflag:s0] =	ssyncadd.tile.s32 @!p0 $0x1;
	_ =	shalt  }
.Lfunc_end2:
_tile_overlayer_lowered:
.L_overlay_start_2:
0x131: {  	(tag) =	ssettag $0x2  }
0x132: {  	s0 =	rddreg [dreg:$0x0];
	s2 =	stileid.u32  }
0x133: {  	s1 =	rddreg [dreg:$0x1];
	p0 =	sne.s32 s2, $0x0  }
0x134: {  	s3 =	rddreg [dreg:$0x2];
	[bflag:$0x3] =	sbarrier.arrive $0xFFFF;
	s2 =	simm.s32 @!p0 $0x1C02  }
0x135: {  	[timem:s3], [sflag:s2] =	dma.local @!p0 [hbm:s0], s1  }
0x136: {  	s0 =	simm.s32 @!p0 $0x2  }
0x137: {  	_ =	swait.ge @!p0 [sflag:s0], s1  }
0x138: {  	s1 =	ssub.s32 @!p0 $0x0, s1;
	[sflag:s0] =	ssyncset.done @!p0 $0x0  }
0x139: {  	[sflag:s0] =	ssyncadd.s32 @!p0 s1  }
0x13a: {  	[bflag:$0x3] =	sbarrier.arrive $0xFFFF  }
0x13b: {  	_ =	shalt  }

</sc_bundles>
